<compile_context>
chip_gen: v7x
topology: tpu7x:2x2x1
jax: 0.10.2.dev20260603
libtpu: 0.0.44.dev20260713+nightly
codegen_flags: <defaults>
</compile_context>

<pallas_src>
import functools

import jax
import jax.numpy as jnp
from jax import lax
from jax.experimental import pallas as pl
from jax.experimental.pallas import tpu as pltpu
from jax.experimental.pallas import tpu_sc as plsc

B = 4
N = 8192
S = 512
K = 32
C = 64
CT = 128
NROWS = B * (S * K + S)
GBIG = 1e10


def _bf16r(v):
    return v.astype(jnp.bfloat16).astype(jnp.float32)


def _prep_body(xy_ref, x_ref, y_ref, pts_ref, tab_ref, bpx_ref, bpy_ref,
               psq_ref):
    x = x_ref[0]
    y = y_ref[0]
    tab_ref[0, :, 0:C] = pts_ref[0]
    tab_ref[0, :, C:C + 2] = xy_ref[0]
    tab_ref[0, :, C + 2:CT] = jnp.zeros((N, CT - C - 2), jnp.float32)
    bpx_ref[0] = _bf16r(x)
    bpy_ref[0] = _bf16r(y)
    psq_ref[0] = x * x + y * y


def _prep(xy, x1, y1, points):
    return pl.pallas_call(
        _prep_body,
        grid=(B,),
        in_specs=[
            pl.BlockSpec((1, N, 2), lambda b: (b, 0, 0)),
            pl.BlockSpec((1, 1, N), lambda b: (b, 0, 0)),
            pl.BlockSpec((1, 1, N), lambda b: (b, 0, 0)),
            pl.BlockSpec((1, N, C), lambda b: (b, 0, 0)),
        ],
        out_specs=[
            pl.BlockSpec((1, N, CT), lambda b: (b, 0, 0)),
            pl.BlockSpec((1, 1, N), lambda b: (b, 0, 0)),
            pl.BlockSpec((1, 1, N), lambda b: (b, 0, 0)),
            pl.BlockSpec((1, 1, N), lambda b: (b, 0, 0)),
        ],
        out_shape=[
            jax.ShapeDtypeStruct((B, N, CT), jnp.float32),
            jax.ShapeDtypeStruct((B, 1, N), jnp.float32),
            jax.ShapeDtypeStruct((B, 1, N), jnp.float32),
            jax.ShapeDtypeStruct((B, 1, N), jnp.float32),
        ],
    )(xy, x1, y1, points)


def _fps_body(x_ref, y_ref, sidx_ref, nx_ref, ny_ref, dist_ref):
    R, L = 8, N // 8
    SR, SL = 8, S // 8
    ir = lax.broadcasted_iota(jnp.int32, (R, L), 0)
    ic = lax.broadcasted_iota(jnp.int32, (R, L), 1)
    gidx = ir * L + ic
    sr = lax.broadcasted_iota(jnp.int32, (SR, SL), 0)
    sc = lax.broadcasted_iota(jnp.int32, (SR, SL), 1)
    sgidx = sr * SL + sc
    for b in range(B):
        dist_ref[b] = jnp.full((R, L), 1e10, jnp.float32)
        sidx_ref[b] = jnp.zeros((SR, SL), jnp.int32)
        nx_ref[b] = jnp.zeros((SR, SL), jnp.float32)
        ny_ref[b] = jnp.zeros((SR, SL), jnp.float32)

    def step(i, fars):
        nf_o = []
        smask = sgidx == i
        for b in range(B):
            fb = fars[b]
            xb = x_ref[b]
            yb = y_ref[b]
            sel = gidx == fb
            cx = jnp.min(jnp.where(sel, xb, 1e10))
            cy = jnp.min(jnp.where(sel, yb, 1e10))
            d = (xb - cx) ** 2 + (yb - cy) ** 2
            nd = jnp.minimum(dist_ref[b], d)
            dist_ref[b] = nd
            m = jnp.max(nd)
            cand = jnp.where(nd == m, gidx, jnp.int32(N))
            nf_o.append(jnp.min(cand))
            sidx_ref[b] = jnp.where(smask, fb + b * N, sidx_ref[b])
            nx_ref[b] = jnp.where(smask, cx, nx_ref[b])
            ny_ref[b] = jnp.where(smask, cy, ny_ref[b])
        return tuple(nf_o)

    lax.fori_loop(0, S, step, tuple(jnp.int32(0) for _ in range(B)))


def _fps(x3, y3):
    return pl.pallas_call(
        _fps_body,
        out_shape=[
            jax.ShapeDtypeStruct((B, 8, S // 8), jnp.int32),
            jax.ShapeDtypeStruct((B, 8, S // 8), jnp.float32),
            jax.ShapeDtypeStruct((B, 8, S // 8), jnp.float32),
        ],
        scratch_shapes=[pltpu.VMEM((B, 8, N // 8), jnp.float32)],
    )(x3, y3)


QT = 8


NB = 64
BW = N // NB


def _knn_body(bpx_ref, bpy_ref, psq_ref, qx_ref, qy_ref, oidx_ref):
    b = pl.program_id(0)
    qx = qx_ref[0]
    qy = qy_ref[0]
    bqx = _bf16r(qx)
    bqy = _bf16r(qy)
    qsq = qx * qx + qy * qy
    px = bpx_ref[0]
    py = bpy_ref[0]
    psq = psq_ref[0]
    prod = bqx * px + bqy * py
    dist = -2.0 * prod + qsq
    dist = dist + psq
    gl = lax.broadcasted_iota(jnp.int32, (QT, N), 1)
    kl = lax.broadcasted_iota(jnp.int32, (QT, K), 1)
    boff = b * N

    def rnd(k, carry):
        dv, m, acc = carry
        cand = jnp.where(dv == m, gl, jnp.int32(N))
        amin = jnp.min(cand, axis=1, keepdims=True)
        acc = jnp.where(kl == k, amin + boff, acc)
        nd = jnp.where(gl == amin, GBIG, dv)
        m2 = jnp.min(nd, axis=1, keepdims=True)
        return nd, m2, acc

    m0 = jnp.min(dist, axis=1, keepdims=True)
    _, _, acc = lax.fori_loop(
        0, K, rnd, (dist, m0, jnp.zeros((QT, K), jnp.int32)))
    oidx_ref[0] = acc


def _knn(bpx, bpy, psq, nxc, nyc):
    return pl.pallas_call(
        _knn_body,
        grid=(B, S // QT),
        in_specs=[
            pl.BlockSpec((1, 1, N), lambda b, t: (b, 0, 0)),
            pl.BlockSpec((1, 1, N), lambda b, t: (b, 0, 0)),
            pl.BlockSpec((1, 1, N), lambda b, t: (b, 0, 0)),
            pl.BlockSpec((1, QT, 1), lambda b, t: (b, t, 0)),
            pl.BlockSpec((1, QT, 1), lambda b, t: (b, t, 0)),
        ],
        out_specs=pl.BlockSpec((1, QT, K), lambda b, t: (b, t, 0)),
        out_shape=jax.ShapeDtypeStruct((B, S, K), jnp.int32),
    )(bpx, bpy, psq, nxc, nyc)


def _sc_gather(table_flat, idx_all):
    info = plsc.get_sparse_core_info()
    nw = info.num_cores * info.num_subcores
    b_per_w = NROWS // nw
    chunk = 96
    nchunks = b_per_w // chunk
    mesh = plsc.VectorSubcoreMesh(core_axis_name="c", subcore_axis_name="s")

    @functools.partial(
        pl.kernel,
        mesh=mesh,
        out_type=jax.ShapeDtypeStruct((NROWS, CT), jnp.float32),
        scratch_types=[
            pltpu.VMEM((b_per_w,), jnp.int32),
            pltpu.VMEM((chunk, CT), jnp.float32),
            pltpu.SemaphoreType.DMA,
        ],
    )
    def k(tab_hbm, idx_hbm, out_hbm, idx_v, rows_v, sem):
        wid = lax.axis_index("s") * info.num_cores + lax.axis_index("c")
        base = wid * b_per_w
        pltpu.sync_copy(idx_hbm.at[pl.ds(base, b_per_w)], idx_v)

        def body(ci, _):
            off = ci * chunk
            pltpu.async_copy(
                tab_hbm.at[idx_v.at[pl.ds(off, chunk)]], rows_v, sem
            ).wait()
            pltpu.sync_copy(rows_v, out_hbm.at[pl.ds(base + off, chunk)])
            return 0

        lax.fori_loop(0, nchunks, body, 0)

    return k(table_flat, idx_all)


GT = 64
NT = S // GT


def _stats_body(g_ref, mean_ref, psum_ref):
    t = pl.program_id(1)
    g = g_ref[0]
    mean = jnp.mean(g, axis=1)
    dev = g - mean[:, None, :]
    ssq = jnp.sum(dev * dev)

    @pl.when(t == 0)
    def _():
        psum_ref[0] = jnp.zeros((1, 128), jnp.float32)

    psum_ref[0] += jnp.full((1, 128), ssq, jnp.float32)
    mean_ref[0] = mean


def _stats(g4):
    return pl.pallas_call(
        _stats_body,
        grid=(B, NT),
        in_specs=[pl.BlockSpec((1, GT, K, CT), lambda b, t: (b, t, 0, 0))],
        out_specs=[
            pl.BlockSpec((1, GT, CT), lambda b, t: (b, t, 0)),
            pl.BlockSpec((1, 1, 128), lambda b, t: (b, 0, 0)),
        ],
        out_shape=[
            jax.ShapeDtypeStruct((B, S, CT), jnp.float32),
            jax.ShapeDtypeStruct((B, 1, 128), jnp.float32),
        ],
    )(g4)


MM1 = S * K * 66 - 1


def _final_body(g_ref, mean_ref, np_ref, psum_ref, a_ref, b_ref, out_ref):
    total = psum_ref[0, 0, 0]
    std = jnp.sqrt(total / jnp.float32(MM1))
    denom = std + jnp.float32(1e-5)
    g = g_ref[0]
    mean = mean_ref[0]
    dev = g - mean[:, None, :]
    al = a_ref[...]
    be = b_ref[...]
    normed = al * (dev / denom) + be
    out_ref[0, :, :, 0:66] = normed[:, :, 0:66]
    npts = np_ref[0][:, 0:C]
    out_ref[0, :, :, 66:130] = jnp.broadcast_to(
        npts[:, None, :], (GT, K, C)
    )


def _final(g4, means, npg, partials, a80, b80):
    return pl.pallas_call(
        _final_body,
        grid=(B, NT),
        in_specs=[
            pl.BlockSpec((1, GT, K, CT), lambda b, t: (b, t, 0, 0)),
            pl.BlockSpec((1, GT, CT), lambda b, t: (b, t, 0)),
            pl.BlockSpec((1, GT, CT), lambda b, t: (b, t, 0)),
            pl.BlockSpec((1, 1, 128), lambda b, t: (b, 0, 0)),
            pl.BlockSpec((1, CT), lambda b, t: (0, 0)),
            pl.BlockSpec((1, CT), lambda b, t: (0, 0)),
        ],
        out_specs=pl.BlockSpec((1, GT, K, 130), lambda b, t: (b, t, 0, 0)),
        out_shape=jax.ShapeDtypeStruct((B, S, K, 130), jnp.float32),
    )(g4, means, npg, partials, a80, b80)


def kernel(xy, points, affine_alpha, affine_beta):
    x = xy[:, :, 0]
    y = xy[:, :, 1]
    x3 = x.reshape(B, 8, N // 8)
    y3 = y.reshape(B, 8, N // 8)
    table, bpx, bpy, psq = _prep(xy, x.reshape(B, 1, N), y.reshape(B, 1, N),
                                 points)
    gsidx3, nx3, ny3 = _fps(x3, y3)
    gsidx = gsidx3.reshape(B, S)
    nxc = nx3.reshape(B, S, 1)
    nyc = ny3.reshape(B, S, 1)
    gknn = _knn(bpx, bpy, psq, nxc, nyc)
    idx_all = jnp.concatenate(
        [gknn.reshape(B, S * K), gsidx], axis=1
    ).reshape(NROWS)
    gathered = _sc_gather(table.reshape(B * N, CT), idx_all)
    gat = gathered.reshape(B, S * K + S, CT)
    g4 = lax.slice(gat, (0, 0, 0), (B, S * K, CT)).reshape(B, S, K, CT)
    npg = lax.slice(gat, (0, S * K, 0), (B, S * K + S, CT))
    means, partials = _stats(g4)
    a80 = jnp.concatenate(
        [affine_alpha.reshape(1, 66), jnp.zeros((1, CT - 66), jnp.float32)], 1
    )
    b80 = jnp.concatenate(
        [affine_beta.reshape(1, 66), jnp.zeros((1, CT - 66), jnp.float32)], 1
    )
    out = _final(g4, means, npg, partials, a80, b80)
    new_xy = jnp.concatenate([nxc, nyc], axis=-1)
    return (new_xy, out)

# --- scband reference (transcript-rebuilt; emitter-appended) ---
"""Pipeline reference for scband-local-grouper-58145267253416 (READ-ONLY COPY).

The authoritative reference and input builder live on the scoring server;
editing this copy changes nothing except your own understanding.
"""

import jax, jax.numpy as jnp
import numpy as np

GROUPS = 512
KNEIGHBORS = 32
USE_XY = True

def index_points(points, idx):
    B = points.shape[0]
    batch = jnp.arange(B).reshape((B,) + (1,) * (idx.ndim - 1))
    return points[batch, idx]

def square_distance(src, dst):
    dist = -2.0 * jnp.matmul(src, jnp.transpose(dst, (0, 2, 1)))
    dist = dist + jnp.sum(src ** 2, axis=-1)[:, :, None]
    dist = dist + jnp.sum(dst ** 2, axis=-1)[:, None, :]
    return dist

def farthest_point_sample(xy, npoint):
    # deterministic FPS standing in for the undefined surface_event_sample
    B, N, C = xy.shape
    def body(i, state):
        dist, idx, farthest = state
        idx = idx.at[:, i].set(farthest)
        centroid = jnp.take_along_axis(xy, farthest[:, None, None].astype(jnp.int32) * jnp.ones((1, 1, C), dtype=jnp.int32), axis=1)
        d = jnp.sum((xy - centroid) ** 2, axis=-1)
        dist = jnp.minimum(dist, d)
        farthest = jnp.argmax(dist, axis=-1).astype(jnp.int32)
        return (dist, idx, farthest)
    dist0 = jnp.full((B, N), 1e10, dtype=xy.dtype)
    idx0 = jnp.zeros((B, npoint), dtype=jnp.int32)
    far0 = jnp.zeros((B,), dtype=jnp.int32)
    dist, idx, _ = jax.lax.fori_loop(0, npoint, body, (dist0, idx0, far0))
    return dist, idx

def knn_event(nsample, xy, new_xy):
    sqrdists = square_distance(new_xy, xy)
    _, group_idx = jax.lax.top_k(-sqrdists, nsample)
    return group_idx

def setup_inputs(seed: int = 0):
    key = jax.random.key(seed)
    k1, k2 = jax.random.split(key)
    xy = jax.random.uniform(k1, (4, 8192, 2), dtype=jnp.float32)
    points = jax.random.normal(k2, (4, 8192, 64), dtype=jnp.float32)
    affine_alpha = jnp.ones((1, 1, 1, 66), dtype=jnp.float32)
    affine_beta = jnp.zeros((1, 1, 1, 66), dtype=jnp.float32)
    return {"xy": xy, "points": points, "affine_alpha": affine_alpha, "affine_beta": affine_beta}

def reference(xy, points, affine_alpha, affine_beta):
    B, N, C = xy.shape
    S = GROUPS
    K = KNEIGHBORS
    _, sample_idx = farthest_point_sample(xy, S)
    new_xy = index_points(xy, sample_idx)
    new_points = index_points(points, sample_idx)
    idx = knn_event(K, xy, new_xy)
    grouped_xy = index_points(xy, idx)
    grouped_points = index_points(points, idx)
    if USE_XY:
        grouped_points = jnp.concatenate([grouped_points, grouped_xy], axis=-1)
    mean = jnp.mean(grouped_points, axis=2, keepdims=True)
    std = jnp.std(jnp.reshape(grouped_points - mean, (B, -1)), axis=-1, ddof=1, keepdims=True)[:, :, None, None]
    grouped_points = (grouped_points - mean) / (std + 1e-05)
    grouped_points = affine_alpha * grouped_points + affine_beta
    new_points_out = jnp.concatenate([grouped_points, jnp.repeat(new_points[:, :, None, :], K, axis=2)], axis=-1)
    return (new_xy, new_points_out)

if __name__ == "__main__":
    import jax
    _d = setup_inputs()
    print(jax.jit(kernel)(*tuple(_d.values())))

</pallas_src>

<mosaic_0001>
#map = affine_map<(d0, d1) -> (0, 0)>
#map1 = affine_map<(d0, d1) -> (0)>
module attributes {stable_mosaic.version = 14 : i64} {
  func.func @k(%arg0: i32, %arg1: i32, %arg2: memref<32768x128xf32, #tpu.memory_space<hbm>>, %arg3: memref<67584xi32, #tpu.memory_space<hbm>>, %arg4: memref<67584x128xf32, #tpu.memory_space<hbm>>, %arg5: memref<2112xi32, #tpu.memory_space<vmem>>, %arg6: memref<96x128xf32, #tpu.memory_space<vmem>>, %arg7: memref<!tpu.dma_semaphore, #tpu.memory_space<semaphore_mem>>) attributes {dimension_semantics = [#tpu.dimension_semantics<core_parallel>, #tpu.dimension_semantics<subcore_parallel>], iteration_bounds = array<i64: 2, 16>, scalar_prefetch = 0 : i64, scratch_operands = 3 : i64, tpu.core_type = #tpu.core_type<sc_vector_subcore>, window_params = [{transform_indices = #map}, {transform_indices = #map1}, {transform_indices = #map}]} {
    %mul3A = arith.constant 2 : i32
    %mul3A_0 = arith.muli %arg1, %mul3A : i32
    %add3A = arith.addi %mul3A_0, %arg0 : i32
    %mul3A_1 = arith.constant 2112 : i32
    %mul3A_2 = arith.muli %add3A, %mul3A_1 : i32
    "tpu.region"() ({
      %run_scoped3A = tpu.sem_alloc : memref<!tpu.dma_semaphore, #tpu.memory_space<semaphore_mem>>
      %dma_start3A = tpu.memref_slice %arg3[%mul3A_2] : memref<67584xi32, #tpu.memory_space<hbm>> -> memref<2112xi32, #tpu.memory_space<hbm>>
      %dma_start3A_9 = tpu.memref_slice %arg3[%mul3A_2] : memref<67584xi32, #tpu.memory_space<hbm>> -> memref<2112xi32, #tpu.memory_space<hbm>>
      tpu.enqueue_dma source(%dma_start3A_9 : memref<2112xi32, #tpu.memory_space<hbm>>) target(%arg5 : memref<2112xi32, #tpu.memory_space<vmem>>) target_semaphore(%run_scoped3A : memref<!tpu.dma_semaphore, #tpu.memory_space<semaphore_mem>>)
      %dma_wait3A = tpu.memref_slice %arg3[%mul3A_2] : memref<67584xi32, #tpu.memory_space<hbm>> -> memref<2112xi32, #tpu.memory_space<hbm>>
      %dma_wait3A_10 = tpu.memref_slice %arg3[%mul3A_2] : memref<67584xi32, #tpu.memory_space<hbm>> -> memref<2112xi32, #tpu.memory_space<hbm>>
      tpu.wait_dma2 semaphore(%run_scoped3A : memref<!tpu.dma_semaphore, #tpu.memory_space<semaphore_mem>>) src(%dma_wait3A_10 : memref<2112xi32, #tpu.memory_space<hbm>>) dst(%arg5 : memref<2112xi32, #tpu.memory_space<vmem>>)
      tpu.yield
    }) : () -> ()
    %scan3A = arith.constant 0 : i32
    %scan3A_3 = arith.constant 0 : i32
    %scan3A_4 = arith.constant 22 : i32
    %scan3A_5 = arith.addi %scan3A_3, %scan3A_4 : i32
    %scan3A_6 = arith.constant 1 : i32
    %scan3A_7 = scf.for %scan3A_9 = %scan3A_3 to %scan3A_5 step %scan3A_6 iter_args(%scan3A_10 = %scan3A) -> (i32)  : i32 {
      %mul3A_11 = arith.constant 96 : i32
      %mul3A_12 = arith.muli %scan3A_9, %mul3A_11 : i32
      %dma_start3A = tpu.memref_slice %arg5[%mul3A_12] : memref<2112xi32, #tpu.memory_space<vmem>> -> memref<96xi32, #tpu.memory_space<vmem>>
      %dma_start3A_13 = arith.constant 0 : i32
      %dma_start3A_14 = arith.constant 0 : i32
      %dma_start3A_15 = tpu.memref_slice %arg2[%dma_start3A_13, %dma_start3A_14] : memref<32768x128xf32, #tpu.memory_space<hbm>> -> memref<32768x128xf32, #tpu.memory_space<hbm>>
      tpu.enqueue_indirect_dma source(%dma_start3A_15 : memref<32768x128xf32, #tpu.memory_space<hbm>>) target(%arg6 : memref<96x128xf32, #tpu.memory_space<vmem>>) offsets(%dma_start3A : memref<96xi32, #tpu.memory_space<vmem>>) semaphore(%arg7 : memref<!tpu.dma_semaphore, #tpu.memory_space<semaphore_mem>>)
      %dma_wait3A = tpu.memref_slice %arg5[%mul3A_12] : memref<2112xi32, #tpu.memory_space<vmem>> -> memref<96xi32, #tpu.memory_space<vmem>>
      %dma_wait3A_16 = arith.constant 0 : i32
      %dma_wait3A_17 = arith.constant 0 : i32
      %dma_wait3A_18 = tpu.memref_slice %arg2[%dma_wait3A_16, %dma_wait3A_17] : memref<32768x128xf32, #tpu.memory_space<hbm>> -> memref<32768x128xf32, #tpu.memory_space<hbm>>
      tpu.wait_indirect_dma semaphore(%arg7 : memref<!tpu.dma_semaphore, #tpu.memory_space<semaphore_mem>>) src(%dma_wait3A_18 : memref<32768x128xf32, #tpu.memory_space<hbm>>) dst(%arg6 : memref<96x128xf32, #tpu.memory_space<vmem>>)
      %add3A_19 = arith.addi %mul3A_2, %mul3A_12 : i32
      "tpu.region"() ({
        %run_scoped3A = tpu.sem_alloc : memref<!tpu.dma_semaphore, #tpu.memory_space<semaphore_mem>>
        %dma_start3A_21 = arith.constant 0 : i32
        %dma_start3A_22 = tpu.memref_slice %arg4[%add3A_19, %dma_start3A_21] : memref<67584x128xf32, #tpu.memory_space<hbm>> -> memref<96x128xf32, #tpu.memory_space<hbm>>
        %dma_start3A_23 = arith.constant 0 : i32
        %dma_start3A_24 = tpu.memref_slice %arg4[%add3A_19, %dma_start3A_23] : memref<67584x128xf32, #tpu.memory_space<hbm>> -> memref<96x128xf32, #tpu.memory_space<hbm>>
        tpu.enqueue_dma source(%arg6 : memref<96x128xf32, #tpu.memory_space<vmem>>) target(%dma_start3A_24 : memref<96x128xf32, #tpu.memory_space<hbm>>) target_semaphore(%run_scoped3A : memref<!tpu.dma_semaphore, #tpu.memory_space<semaphore_mem>>)
        %dma_wait3A_25 = arith.constant 0 : i32
        %dma_wait3A_26 = tpu.memref_slice %arg4[%add3A_19, %dma_wait3A_25] : memref<67584x128xf32, #tpu.memory_space<hbm>> -> memref<96x128xf32, #tpu.memory_space<hbm>>
        %dma_wait3A_27 = arith.constant 0 : i32
        %dma_wait3A_28 = tpu.memref_slice %arg4[%add3A_19, %dma_wait3A_27] : memref<67584x128xf32, #tpu.memory_space<hbm>> -> memref<96x128xf32, #tpu.memory_space<hbm>>
        tpu.wait_dma2 semaphore(%run_scoped3A : memref<!tpu.dma_semaphore, #tpu.memory_space<semaphore_mem>>) src(%arg6 : memref<96x128xf32, #tpu.memory_space<vmem>>) dst(%dma_wait3A_28 : memref<96x128xf32, #tpu.memory_space<hbm>>)
        tpu.yield
      }) : () -> ()
      %scan3A_20 = arith.constant 0 : i32
      scf.yield %scan3A_20 : i32
    }
    %scan3A_8 = arith.constant 22 : i32
    return
  }
}

module attributes {stable_mosaic.version = 14 : i64} {
  func.func @_fps_body(%arg0: memref<4x8x1024xf32, #tpu.memory_space<vmem>>, %arg1: memref<4x8x1024xf32, #tpu.memory_space<vmem>>, %arg2: memref<4x8x64xi32, #tpu.memory_space<vmem>>, %arg3: memref<4x8x64xf32, #tpu.memory_space<vmem>>, %arg4: memref<4x8x64xf32, #tpu.memory_space<vmem>>, %arg5: memref<4x8x1024xf32, #tpu.memory_space<vmem>>) attributes {dimension_semantics = [], scalar_prefetch = 0 : i64, scratch_operands = 1 : i64, tpu.core_type = #tpu.core_type<tc>} {
    %iota3A = tpu.iota {dimensions = array<i32: 0>} : vector<8x1024xi32>
    %iota3A_0 = tpu.iota {dimensions = array<i32: 1>} : vector<8x1024xi32>
    %mul3A = arith.constant 1024 : i32
    %mul3A_1 = vector.broadcast %mul3A : i32 to vector<8x1024xi32>
    %mul3A_2 = arith.muli %iota3A, %mul3A_1 : vector<8x1024xi32>
    %add3A = arith.addi %mul3A_2, %iota3A_0 : vector<8x1024xi32>
    %iota3A_3 = tpu.iota {dimensions = array<i32: 0>} : vector<8x64xi32>
    %iota3A_4 = tpu.iota {dimensions = array<i32: 1>} : vector<8x64xi32>
    %mul3A_5 = arith.constant 64 : i32
    %mul3A_6 = vector.broadcast %mul3A_5 : i32 to vector<8x64xi32>
    %mul3A_7 = arith.muli %iota3A_3, %mul3A_6 : vector<8x64xi32>
    %add3A_8 = arith.addi %mul3A_7, %iota3A_4 : vector<8x64xi32>
    %broadcast_in_dim3A = arith.constant 1.000000e+10 : f32
    %broadcast_in_dim3A_9 = vector.broadcast %broadcast_in_dim3A : f32 to vector<8x1024xf32>
    %swap3A = arith.constant 0 : index
    %swap3A_10 = arith.constant 0 : index
    %swap3A_11 = arith.constant 0 : index
    %swap3A_12 = vector.load %arg5[%swap3A, %swap3A_10, %swap3A_11] : memref<4x8x1024xf32, #tpu.memory_space<vmem>>, vector<1x8x1024xf32>
    %swap3A_13 = vector.shape_cast %swap3A_12 : vector<1x8x1024xf32> to vector<8x1024xf32>
    %swap3A_14 = vector.shape_cast %broadcast_in_dim3A_9 : vector<8x1024xf32> to vector<1x8x1024xf32>
    tpu.vector_store %arg5[%swap3A, %swap3A_10, %swap3A_11], %swap3A_14 {strides = array<i32>} : memref<4x8x1024xf32, #tpu.memory_space<vmem>>, vector<1x8x1024xf32>,
    %broadcast_in_dim3A_15 = arith.constant 0 : i32
    %broadcast_in_dim3A_16 = vector.broadcast %broadcast_in_dim3A_15 : i32 to vector<8x64xi32>
    %swap3A_17 = arith.constant 0 : index
    %swap3A_18 = arith.constant 0 : index
    %swap3A_19 = arith.constant 0 : index
    %swap3A_20 = vector.load %arg2[%swap3A_17, %swap3A_18, %swap3A_19] : memref<4x8x64xi32, #tpu.memory_space<vmem>>, vector<1x8x64xi32>
    %swap3A_21 = vector.shape_cast %swap3A_20 : vector<1x8x64xi32> to vector<8x64xi32>
    %swap3A_22 = vector.shape_cast %broadcast_in_dim3A_16 : vector<8x64xi32> to vector<1x8x64xi32>
    tpu.vector_store %arg2[%swap3A_17, %swap3A_18, %swap3A_19], %swap3A_22 {strides = array<i32>} : memref<4x8x64xi32, #tpu.memory_space<vmem>>, vector<1x8x64xi32>,
    %broadcast_in_dim3A_23 = arith.constant 0.000000e+00 : f32
    %broadcast_in_dim3A_24 = vector.broadcast %broadcast_in_dim3A_23 : f32 to vector<8x64xf32>
    %swap3A_25 = arith.constant 0 : index
    %swap3A_26 = arith.constant 0 : index
    %swap3A_27 = arith.constant 0 : index
    %swap3A_28 = vector.load %arg3[%swap3A_25, %swap3A_26, %swap3A_27] : memref<4x8x64xf32, #tpu.memory_space<vmem>>, vector<1x8x64xf32>
    %swap3A_29 = vector.shape_cast %swap3A_28 : vector<1x8x64xf32> to vector<8x64xf32>
    %swap3A_30 = vector.shape_cast %broadcast_in_dim3A_24 : vector<8x64xf32> to vector<1x8x64xf32>
    tpu.vector_store %arg3[%swap3A_25, %swap3A_26, %swap3A_27], %swap3A_30 {strides = array<i32>} : memref<4x8x64xf32, #tpu.memory_space<vmem>>, vector<1x8x64xf32>,
    %broadcast_in_dim3A_31 = arith.constant 0.000000e+00 : f32
    %broadcast_in_dim3A_32 = vector.broadcast %broadcast_in_dim3A_31 : f32 to vector<8x64xf32>
    %swap3A_33 = arith.constant 0 : index
    %swap3A_34 = arith.constant 0 : index
    %swap3A_35 = arith.constant 0 : index
    %swap3A_36 = vector.load %arg4[%swap3A_33, %swap3A_34, %swap3A_35] : memref<4x8x64xf32, #tpu.memory_space<vmem>>, vector<1x8x64xf32>
    %swap3A_37 = vector.shape_cast %swap3A_36 : vector<1x8x64xf32> to vector<8x64xf32>
    %swap3A_38 = vector.shape_cast %broadcast_in_dim3A_32 : vector<8x64xf32> to vector<1x8x64xf32>
    tpu.vector_store %arg4[%swap3A_33, %swap3A_34, %swap3A_35], %swap3A_38 {strides = array<i32>} : memref<4x8x64xf32, #tpu.memory_space<vmem>>, vector<1x8x64xf32>,
    %broadcast_in_dim3A_39 = arith.constant 1.000000e+10 : f32
    %broadcast_in_dim3A_40 = vector.broadcast %broadcast_in_dim3A_39 : f32 to vector<8x1024xf32>
    %swap3A_41 = arith.constant 1 : index
    %swap3A_42 = arith.constant 0 : index
    %swap3A_43 = arith.constant 0 : index
    %swap3A_44 = vector.load %arg5[%swap3A_41, %swap3A_42, %swap3A_43] : memref<4x8x1024xf32, #tpu.memory_space<vmem>>, vector<1x8x1024xf32>
    %swap3A_45 = vector.shape_cast %swap3A_44 : vector<1x8x1024xf32> to vector<8x1024xf32>
    %swap3A_46 = vector.shape_cast %broadcast_in_dim3A_40 : vector<8x1024xf32> to vector<1x8x1024xf32>
    tpu.vector_store %arg5[%swap3A_41, %swap3A_42, %swap3A_43], %swap3A_46 {strides = array<i32>} : memref<4x8x1024xf32, #tpu.memory_space<vmem>>, vector<1x8x1024xf32>,
    %broadcast_in_dim3A_47 = arith.constant 0 : i32
    %broadcast_in_dim3A_48 = vector.broadcast %broadcast_in_dim3A_47 : i32 to vector<8x64xi32>
    %swap3A_49 = arith.constant 1 : index
    %swap3A_50 = arith.constant 0 : index
    %swap3A_51 = arith.constant 0 : index
    %swap3A_52 = vector.load %arg2[%swap3A_49, %swap3A_50, %swap3A_51] : memref<4x8x64xi32, #tpu.memory_space<vmem>>, vector<1x8x64xi32>
    %swap3A_53 = vector.shape_cast %swap3A_52 : vector<1x8x64xi32> to vector<8x64xi32>
    %swap3A_54 = vector.shape_cast %broadcast_in_dim3A_48 : vector<8x64xi32> to vector<1x8x64xi32>
    tpu.vector_store %arg2[%swap3A_49, %swap3A_50, %swap3A_51], %swap3A_54 {strides = array<i32>} : memref<4x8x64xi32, #tpu.memory_space<vmem>>, vector<1x8x64xi32>,
    %broadcast_in_dim3A_55 = arith.constant 0.000000e+00 : f32
    %broadcast_in_dim3A_56 = vector.broadcast %broadcast_in_dim3A_55 : f32 to vector<8x64xf32>
    %swap3A_57 = arith.constant 1 : index
    %swap3A_58 = arith.constant 0 : index
    %swap3A_59 = arith.constant 0 : index
    %swap3A_60 = vector.load %arg3[%swap3A_57, %swap3A_58, %swap3A_59] : memref<4x8x64xf32, #tpu.memory_space<vmem>>, vector<1x8x64xf32>
    %swap3A_61 = vector.shape_cast %swap3A_60 : vector<1x8x64xf32> to vector<8x64xf32>
    %swap3A_62 = vector.shape_cast %broadcast_in_dim3A_56 : vector<8x64xf32> to vector<1x8x64xf32>
    tpu.vector_store %arg3[%swap3A_57, %swap3A_58, %swap3A_59], %swap3A_62 {strides = array<i32>} : memref<4x8x64xf32, #tpu.memory_space<vmem>>, vector<1x8x64xf32>,
    %broadcast_in_dim3A_63 = arith.constant 0.000000e+00 : f32
    %broadcast_in_dim3A_64 = vector.broadcast %broadcast_in_dim3A_63 : f32 to vector<8x64xf32>
    %swap3A_65 = arith.constant 1 : index
    %swap3A_66 = arith.constant 0 : index
    %swap3A_67 = arith.constant 0 : index
    %swap3A_68 = vector.load %arg4[%swap3A_65, %swap3A_66, %swap3A_67] : memref<4x8x64xf32, #tpu.memory_space<vmem>>, vector<1x8x64xf32>
    %swap3A_69 = vector.shape_cast %swap3A_68 : vector<1x8x64xf32> to vector<8x64xf32>
    %swap3A_70 = vector.shape_cast %broadcast_in_dim3A_64 : vector<8x64xf32> to vector<1x8x64xf32>
    tpu.vector_store %arg4[%swap3A_65, %swap3A_66, %swap3A_67], %swap3A_70 {strides = array<i32>} : memref<4x8x64xf32, #tpu.memory_space<vmem>>, vector<1x8x64xf32>,
    %broadcast_in_dim3A_71 = arith.constant 1.000000e+10 : f32
    %broadcast_in_dim3A_72 = vector.broadcast %broadcast_in_dim3A_71 : f32 to vector<8x1024xf32>
    %swap3A_73 = arith.constant 2 : index
    %swap3A_74 = arith.constant 0 : index
    %swap3A_75 = arith.constant 0 : index
    %swap3A_76 = vector.load %arg5[%swap3A_73, %swap3A_74, %swap3A_75] : memref<4x8x1024xf32, #tpu.memory_space<vmem>>, vector<1x8x1024xf32>
    %swap3A_77 = vector.shape_cast %swap3A_76 : vector<1x8x1024xf32> to vector<8x1024xf32>
    %swap3A_78 = vector.shape_cast %broadcast_in_dim3A_72 : vector<8x1024xf32> to vector<1x8x1024xf32>
    tpu.vector_store %arg5[%swap3A_73, %swap3A_74, %swap3A_75], %swap3A_78 {strides = array<i32>} : memref<4x8x1024xf32, #tpu.memory_space<vmem>>, vector<1x8x1024xf32>,
    %broadcast_in_dim3A_79 = arith.constant 0 : i32
    %broadcast_in_dim3A_80 = vector.broadcast %broadcast_in_dim3A_79 : i32 to vector<8x64xi32>
    %swap3A_81 = arith.constant 2 : index
    %swap3A_82 = arith.constant 0 : index
    %swap3A_83 = arith.constant 0 : index
    %swap3A_84 = vector.load %arg2[%swap3A_81, %swap3A_82, %swap3A_83] : memref<4x8x64xi32, #tpu.memory_space<vmem>>, vector<1x8x64xi32>
    %swap3A_85 = vector.shape_cast %swap3A_84 : vector<1x8x64xi32> to vector<8x64xi32>
    %swap3A_86 = vector.shape_cast %broadcast_in_dim3A_80 : vector<8x64xi32> to vector<1x8x64xi32>
    tpu.vector_store %arg2[%swap3A_81, %swap3A_82, %swap3A_83], %swap3A_86 {strides = array<i32>} : memref<4x8x64xi32, #tpu.memory_space<vmem>>, vector<1x8x64xi32>,
    %broadcast_in_dim3A_87 = arith.constant 0.000000e+00 : f32
    %broadcast_in_dim3A_88 = vector.broadcast %broadcast_in_dim3A_87 : f32 to vector<8x64xf32>
    %swap3A_89 = arith.constant 2 : index
    %swap3A_90 = arith.constant 0 : index
    %swap3A_91 = arith.constant 0 : index
    %swap3A_92 = vector.load %arg3[%swap3A_89, %swap3A_90, %swap3A_91] : memref<4x8x64xf32, #tpu.memory_space<vmem>>, vector<1x8x64xf32>
    %swap3A_93 = vector.shape_cast %swap3A_92 : vector<1x8x64xf32> to vector<8x64xf32>
    %swap3A_94 = vector.shape_cast %broadcast_in_dim3A_88 : vector<8x64xf32> to vector<1x8x64xf32>
    tpu.vector_store %arg3[%swap3A_89, %swap3A_90, %swap3A_91], %swap3A_94 {strides = array<i32>} : memref<4x8x64xf32, #tpu.memory_space<vmem>>, vector<1x8x64xf32>,
    %broadcast_in_dim3A_95 = arith.constant 0.000000e+00 : f32
    %broadcast_in_dim3A_96 = vector.broadcast %broadcast_in_dim3A_95 : f32 to vector<8x64xf32>
    %swap3A_97 = arith.constant 2 : index
    %swap3A_98 = arith.constant 0 : index
    %swap3A_99 = arith.constant 0 : index
    %swap3A_100 = vector.load %arg4[%swap3A_97, %swap3A_98, %swap3A_99] : memref<4x8x64xf32, #tpu.memory_space<vmem>>, vector<1x8x64xf32>
    %swap3A_101 = vector.shape_cast %swap3A_100 : vector<1x8x64xf32> to vector<8x64xf32>
    %swap3A_102 = vector.shape_cast %broadcast_in_dim3A_96 : vector<8x64xf32> to vector<1x8x64xf32>
    tpu.vector_store %arg4[%swap3A_97, %swap3A_98, %swap3A_99], %swap3A_102 {strides = array<i32>} : memref<4x8x64xf32, #tpu.memory_space<vmem>>, vector<1x8x64xf32>,
    %broadcast_in_dim3A_103 = arith.constant 1.000000e+10 : f32
    %broadcast_in_dim3A_104 = vector.broadcast %broadcast_in_dim3A_103 : f32 to vector<8x1024xf32>
    %swap3A_105 = arith.constant 3 : index
    %swap3A_106 = arith.constant 0 : index
    %swap3A_107 = arith.constant 0 : index
    %swap3A_108 = vector.load %arg5[%swap3A_105, %swap3A_106, %swap3A_107] : memref<4x8x1024xf32, #tpu.memory_space<vmem>>, vector<1x8x1024xf32>
    %swap3A_109 = vector.shape_cast %swap3A_108 : vector<1x8x1024xf32> to vector<8x1024xf32>
    %swap3A_110 = vector.shape_cast %broadcast_in_dim3A_104 : vector<8x1024xf32> to vector<1x8x1024xf32>
    tpu.vector_store %arg5[%swap3A_105, %swap3A_106, %swap3A_107], %swap3A_110 {strides = array<i32>} : memref<4x8x1024xf32, #tpu.memory_space<vmem>>, vector<1x8x1024xf32>,
    %broadcast_in_dim3A_111 = arith.constant 0 : i32
    %broadcast_in_dim3A_112 = vector.broadcast %broadcast_in_dim3A_111 : i32 to vector<8x64xi32>
    %swap3A_113 = arith.constant 3 : index
    %swap3A_114 = arith.constant 0 : index
    %swap3A_115 = arith.constant 0 : index
    %swap3A_116 = vector.load %arg2[%swap3A_113, %swap3A_114, %swap3A_115] : memref<4x8x64xi32, #tpu.memory_space<vmem>>, vector<1x8x64xi32>
    %swap3A_117 = vector.shape_cast %swap3A_116 : vector<1x8x64xi32> to vector<8x64xi32>
    %swap3A_118 = vector.shape_cast %broadcast_in_dim3A_112 : vector<8x64xi32> to vector<1x8x64xi32>
    tpu.vector_store %arg2[%swap3A_113, %swap3A_114, %swap3A_115], %swap3A_118 {strides = array<i32>} : memref<4x8x64xi32, #tpu.memory_space<vmem>>, vector<1x8x64xi32>,
    %broadcast_in_dim3A_119 = arith.constant 0.000000e+00 : f32
    %broadcast_in_dim3A_120 = vector.broadcast %broadcast_in_dim3A_119 : f32 to vector<8x64xf32>
    %swap3A_121 = arith.constant 3 : index
    %swap3A_122 = arith.constant 0 : index
    %swap3A_123 = arith.constant 0 : index
    %swap3A_124 = vector.load %arg3[%swap3A_121, %swap3A_122, %swap3A_123] : memref<4x8x64xf32, #tpu.memory_space<vmem>>, vector<1x8x64xf32>
    %swap3A_125 = vector.shape_cast %swap3A_124 : vector<1x8x64xf32> to vector<8x64xf32>
    %swap3A_126 = vector.shape_cast %broadcast_in_dim3A_120 : vector<8x64xf32> to vector<1x8x64xf32>
    tpu.vector_store %arg3[%swap3A_121, %swap3A_122, %swap3A_123], %swap3A_126 {strides = array<i32>} : memref<4x8x64xf32, #tpu.memory_space<vmem>>, vector<1x8x64xf32>,
    %broadcast_in_dim3A_127 = arith.constant 0.000000e+00 : f32
    %broadcast_in_dim3A_128 = vector.broadcast %broadcast_in_dim3A_127 : f32 to vector<8x64xf32>
    %swap3A_129 = arith.constant 3 : index
    %swap3A_130 = arith.constant 0 : index
    %swap3A_131 = arith.constant 0 : index
    %swap3A_132 = vector.load %arg4[%swap3A_129, %swap3A_130, %swap3A_131] : memref<4x8x64xf32, #tpu.memory_space<vmem>>, vector<1x8x64xf32>
    %swap3A_133 = vector.shape_cast %swap3A_132 : vector<1x8x64xf32> to vector<8x64xf32>
    %swap3A_134 = vector.shape_cast %broadcast_in_dim3A_128 : vector<8x64xf32> to vector<1x8x64xf32>
    tpu.vector_store %arg4[%swap3A_129, %swap3A_130, %swap3A_131], %swap3A_134 {strides = array<i32>} : memref<4x8x64xf32, #tpu.memory_space<vmem>>, vector<1x8x64xf32>,
    %scan3A = arith.constant 0 : i32
    %scan3A_135 = arith.constant 0 : i32
    %scan3A_136 = arith.constant 0 : i32
    %scan3A_137 = arith.constant 0 : i32
    %scan3A_138 = arith.constant 0 : i32
    %scan3A_139 = arith.constant 512 : i32
    %scan3A_140 = arith.addi %scan3A_138, %scan3A_139 : i32
    %scan3A_141 = arith.constant 1 : i32
    %scan3A_142:4 = scf.for %scan3A_144 = %scan3A_138 to %scan3A_140 step %scan3A_141 iter_args(%scan3A_145 = %scan3A, %scan3A_146 = %scan3A_135, %scan3A_147 = %scan3A_136, %scan3A_148 = %scan3A_137) -> (i32, i32, i32, i32)  : i32 {
      %eq3A = vector.broadcast %scan3A_144 : i32 to vector<8x64xi32>
      %eq3A_149 = arith.cmpi eq, %add3A_8, %eq3A : vector<8x64xi32>
      %get3A = arith.constant 0 : index
      %get3A_150 = arith.constant 0 : index
      %get3A_151 = arith.constant 0 : index
      %get3A_152 = vector.load %arg0[%get3A, %get3A_150, %get3A_151] : memref<4x8x1024xf32, #tpu.memory_space<vmem>>, vector<1x8x1024xf32>
      %get3A_153 = vector.shape_cast %get3A_152 : vector<1x8x1024xf32> to vector<8x1024xf32>
      %get3A_154 = arith.constant 0 : index
      %get3A_155 = arith.constant 0 : index
      %get3A_156 = arith.constant 0 : index
      %get3A_157 = vector.load %arg1[%get3A_154, %get3A_155, %get3A_156] : memref<4x8x1024xf32, #tpu.memory_space<vmem>>, vector<1x8x1024xf32>
      %get3A_158 = vector.shape_cast %get3A_157 : vector<1x8x1024xf32> to vector<8x1024xf32>
      %eq3A_159 = vector.broadcast %scan3A_145 : i32 to vector<8x1024xi32>
      %eq3A_160 = arith.cmpi eq, %add3A, %eq3A_159 : vector<8x1024xi32>
      %jit3A = arith.constant 1.000000e+10 : f32
      %broadcast_in_dim3A_161 = vector.broadcast %jit3A : f32 to vector<8x1024xf32>
      %select_n3A = arith.select %eq3A_160, %get3A_153, %broadcast_in_dim3A_161 : vector<8x1024xi1>, vector<8x1024xf32>
      %reduce_min3A = vector.shape_cast %select_n3A : vector<8x1024xf32> to vector<1x8x1024xf32>
      %reduce_min3A_162 = arith.constant dense<0x7F800000> : vector<1xf32>
      %reduce_min3A_163 = vector.multi_reduction <minimumf>, %reduce_min3A, %reduce_min3A_162 [1, 2] : vector<1x8x1024xf32> to vector<1xf32>
      %reduce_min3A_164 = vector.shape_cast %reduce_min3A_163 : vector<1xf32> to vector<1x1x1xf32>
      %reduce_min3A_165 = vector.extract %reduce_min3A_164[0, 0, 0] : f32 from vector<1x1x1xf32>
      %jit3A_166 = arith.constant 1.000000e+10 : f32
      %broadcast_in_dim3A_167 = vector.broadcast %jit3A_166 : f32 to vector<8x1024xf32>
      %select_n3A_168 = arith.select %eq3A_160, %get3A_158, %broadcast_in_dim3A_167 : vector<8x1024xi1>, vector<8x1024xf32>
      %reduce_min3A_169 = vector.shape_cast %select_n3A_168 : vector<8x1024xf32> to vector<1x8x1024xf32>
      %reduce_min3A_170 = arith.constant dense<0x7F800000> : vector<1xf32>
      %reduce_min3A_171 = vector.multi_reduction <minimumf>, %reduce_min3A_169, %reduce_min3A_170 [1, 2] : vector<1x8x1024xf32> to vector<1xf32>
      %reduce_min3A_172 = vector.shape_cast %reduce_min3A_171 : vector<1xf32> to vector<1x1x1xf32>
      %reduce_min3A_173 = vector.extract %reduce_min3A_172[0, 0, 0] : f32 from vector<1x1x1xf32>
      %sub3A = vector.broadcast %reduce_min3A_165 : f32 to vector<8x1024xf32>
      %sub3A_174 = arith.subf %get3A_153, %sub3A : vector<8x1024xf32>
      %integer_pow3A = arith.mulf %sub3A_174, %sub3A_174 : vector<8x1024xf32>
      %sub3A_175 = vector.broadcast %reduce_min3A_173 : f32 to vector<8x1024xf32>
      %sub3A_176 = arith.subf %get3A_158, %sub3A_175 : vector<8x1024xf32>
      %integer_pow3A_177 = arith.mulf %sub3A_176, %sub3A_176 : vector<8x1024xf32>
      %add3A_178 = arith.addf %integer_pow3A, %integer_pow3A_177 : vector<8x1024xf32>
      %get3A_179 = arith.constant 0 : index
      %get3A_180 = arith.constant 0 : index
      %get3A_181 = arith.constant 0 : index
      %get3A_182 = vector.load %arg5[%get3A_179, %get3A_180, %get3A_181] : memref<4x8x1024xf32, #tpu.memory_space<vmem>>, vector<1x8x1024xf32>
      %get3A_183 = vector.shape_cast %get3A_182 : vector<1x8x1024xf32> to vector<8x1024xf32>
      %min3A = arith.minimumf %get3A_183, %add3A_178 : vector<8x1024xf32>
      %swap3A_184 = arith.constant 0 : index
      %swap3A_185 = arith.constant 0 : index
      %swap3A_186 = arith.constant 0 : index
      %swap3A_187 = vector.load %arg5[%swap3A_184, %swap3A_185, %swap3A_186] : memref<4x8x1024xf32, #tpu.memory_space<vmem>>, vector<1x8x1024xf32>
      %swap3A_188 = vector.shape_cast %swap3A_187 : vector<1x8x1024xf32> to vector<8x1024xf32>
      %swap3A_189 = vector.shape_cast %min3A : vector<8x1024xf32> to vector<1x8x1024xf32>
      tpu.vector_store %arg5[%swap3A_184, %swap3A_185, %swap3A_186], %swap3A_189 {strides = array<i32>} : memref<4x8x1024xf32, #tpu.memory_space<vmem>>, vector<1x8x1024xf32>,
      %reduce_max3A = vector.shape_cast %min3A : vector<8x1024xf32> to vector<1x8x1024xf32>
      %reduce_max3A_190 = arith.constant dense<0xFF800000> : vector<1xf32>
      %reduce_max3A_191 = vector.multi_reduction <maximumf>, %reduce_max3A, %reduce_max3A_190 [1, 2] : vector<1x8x1024xf32> to vector<1xf32>
      %reduce_max3A_192 = vector.shape_cast %reduce_max3A_191 : vector<1xf32> to vector<1x1x1xf32>
      %reduce_max3A_193 = vector.extract %reduce_max3A_192[0, 0, 0] : f32 from vector<1x1x1xf32>
      %eq3A_194 = vector.broadcast %reduce_max3A_193 : f32 to vector<8x1024xf32>
      %eq3A_195 = arith.cmpf oeq, %min3A, %eq3A_194 : vector<8x1024xf32>
      %jit3A_196 = arith.constant 8192 : i32
      %broadcast_in_dim3A_197 = vector.broadcast %jit3A_196 : i32 to vector<8x1024xi32>
      %select_n3A_198 = arith.select %eq3A_195, %add3A, %broadcast_in_dim3A_197 : vector<8x1024xi1>, vector<8x1024xi32>
      %reduce_min3A_199 = vector.shape_cast %select_n3A_198 : vector<8x1024xi32> to vector<1x8x1024xi32>
      %reduce_min3A_200 = arith.constant dense<2147483647> : vector<1xi32>
      %reduce_min3A_201 = vector.multi_reduction <minsi>, %reduce_min3A_199, %reduce_min3A_200 [1, 2] : vector<1x8x1024xi32> to vector<1xi32>
      %reduce_min3A_202 = vector.shape_cast %reduce_min3A_201 : vector<1xi32> to vector<1x1x1xi32>
      %reduce_min3A_203 = vector.extract %reduce_min3A_202[0, 0, 0] : i32 from vector<1x1x1xi32>
      %add3A_204 = arith.constant 0 : i32
      %add3A_205 = arith.addi %scan3A_145, %add3A_204 : i32
      %get3A_206 = arith.constant 0 : index
      %get3A_207 = arith.constant 0 : index
      %get3A_208 = arith.constant 0 : index
      %get3A_209 = vector.load %arg2[%get3A_206, %get3A_207, %get3A_208] : memref<4x8x64xi32, #tpu.memory_space<vmem>>, vector<1x8x64xi32>
      %get3A_210 = vector.shape_cast %get3A_209 : vector<1x8x64xi32> to vector<8x64xi32>
      %broadcast_in_dim3A_211 = vector.broadcast %add3A_205 : i32 to vector<8x64xi32>
      %select_n3A_212 = arith.select %eq3A_149, %broadcast_in_dim3A_211, %get3A_210 : vector<8x64xi1>, vector<8x64xi32>
      %swap3A_213 = arith.constant 0 : index
      %swap3A_214 = arith.constant 0 : index
      %swap3A_215 = arith.constant 0 : index
      %swap3A_216 = vector.load %arg2[%swap3A_213, %swap3A_214, %swap3A_215] : memref<4x8x64xi32, #tpu.memory_space<vmem>>, vector<1x8x64xi32>
      %swap3A_217 = vector.shape_cast %swap3A_216 : vector<1x8x64xi32> to vector<8x64xi32>
      %swap3A_218 = vector.shape_cast %select_n3A_212 : vector<8x64xi32> to vector<1x8x64xi32>
      tpu.vector_store %arg2[%swap3A_213, %swap3A_214, %swap3A_215], %swap3A_218 {strides = array<i32>} : memref<4x8x64xi32, #tpu.memory_space<vmem>>, vector<1x8x64xi32>,
      %get3A_219 = arith.constant 0 : index
      %get3A_220 = arith.constant 0 : index
      %get3A_221 = arith.constant 0 : index
      %get3A_222 = vector.load %arg3[%get3A_219, %get3A_220, %get3A_221] : memref<4x8x64xf32, #tpu.memory_space<vmem>>, vector<1x8x64xf32>
      %get3A_223 = vector.shape_cast %get3A_222 : vector<1x8x64xf32> to vector<8x64xf32>
      %broadcast_in_dim3A_224 = vector.broadcast %reduce_min3A_165 : f32 to vector<8x64xf32>
      %select_n3A_225 = arith.select %eq3A_149, %broadcast_in_dim3A_224, %get3A_223 : vector<8x64xi1>, vector<8x64xf32>
      %swap3A_226 = arith.constant 0 : index
      %swap3A_227 = arith.constant 0 : index
      %swap3A_228 = arith.constant 0 : index
      %swap3A_229 = vector.load %arg3[%swap3A_226, %swap3A_227, %swap3A_228] : memref<4x8x64xf32, #tpu.memory_space<vmem>>, vector<1x8x64xf32>
      %swap3A_230 = vector.shape_cast %swap3A_229 : vector<1x8x64xf32> to vector<8x64xf32>
      %swap3A_231 = vector.shape_cast %select_n3A_225 : vector<8x64xf32> to vector<1x8x64xf32>
      tpu.vector_store %arg3[%swap3A_226, %swap3A_227, %swap3A_228], %swap3A_231 {strides = array<i32>} : memref<4x8x64xf32, #tpu.memory_space<vmem>>, vector<1x8x64xf32>,
      %get3A_232 = arith.constant 0 : index
      %get3A_233 = arith.constant 0 : index
      %get3A_234 = arith.constant 0 : index
      %get3A_235 = vector.load %arg4[%get3A_232, %get3A_233, %get3A_234] : memref<4x8x64xf32, #tpu.memory_space<vmem>>, vector<1x8x64xf32>
      %get3A_236 = vector.shape_cast %get3A_235 : vector<1x8x64xf32> to vector<8x64xf32>
      %broadcast_in_dim3A_237 = vector.broadcast %reduce_min3A_173 : f32 to vector<8x64xf32>
      %select_n3A_238 = arith.select %eq3A_149, %broadcast_in_dim3A_237, %get3A_236 : vector<8x64xi1>, vector<8x64xf32>
      %swap3A_239 = arith.constant 0 : index
      %swap3A_240 = arith.constant 0 : index
      %swap3A_241 = arith.constant 0 : index
      %swap3A_242 = vector.load %arg4[%swap3A_239, %swap3A_240, %swap3A_241] : memref<4x8x64xf32, #tpu.memory_space<vmem>>, vector<1x8x64xf32>
      %swap3A_243 = vector.shape_cast %swap3A_242 : vector<1x8x64xf32> to vector<8x64xf32>
      %swap3A_244 = vector.shape_cast %select_n3A_238 : vector<8x64xf32> to vector<1x8x64xf32>
      tpu.vector_store %arg4[%swap3A_239, %swap3A_240, %swap3A_241], %swap3A_244 {strides = array<i32>} : memref<4x8x64xf32, #tpu.memory_space<vmem>>, vector<1x8x64xf32>,
      %get3A_245 = arith.constant 1 : index
      %get3A_246 = arith.constant 0 : index
      %get3A_247 = arith.constant 0 : index
      %get3A_248 = vector.load %arg0[%get3A_245, %get3A_246, %get3A_247] : memref<4x8x1024xf32, #tpu.memory_space<vmem>>, vector<1x8x1024xf32>
      %get3A_249 = vector.shape_cast %get3A_248 : vector<1x8x1024xf32> to vector<8x1024xf32>
      %get3A_250 = arith.constant 1 : index
      %get3A_251 = arith.constant 0 : index
      %get3A_252 = arith.constant 0 : index
      %get3A_253 = vector.load %arg1[%get3A_250, %get3A_251, %get3A_252] : memref<4x8x1024xf32, #tpu.memory_space<vmem>>, vector<1x8x1024xf32>
      %get3A_254 = vector.shape_cast %get3A_253 : vector<1x8x1024xf32> to vector<8x1024xf32>
      %eq3A_255 = vector.broadcast %scan3A_146 : i32 to vector<8x1024xi32>
      %eq3A_256 = arith.cmpi eq, %add3A, %eq3A_255 : vector<8x1024xi32>
      %jit3A_257 = arith.constant 1.000000e+10 : f32
      %broadcast_in_dim3A_258 = vector.broadcast %jit3A_257 : f32 to vector<8x1024xf32>
      %select_n3A_259 = arith.select %eq3A_256, %get3A_249, %broadcast_in_dim3A_258 : vector<8x1024xi1>, vector<8x1024xf32>
      %reduce_min3A_260 = vector.shape_cast %select_n3A_259 : vector<8x1024xf32> to vector<1x8x1024xf32>
      %reduce_min3A_261 = arith.constant dense<0x7F800000> : vector<1xf32>
      %reduce_min3A_262 = vector.multi_reduction <minimumf>, %reduce_min3A_260, %reduce_min3A_261 [1, 2] : vector<1x8x1024xf32> to vector<1xf32>
      %reduce_min3A_263 = vector.shape_cast %reduce_min3A_262 : vector<1xf32> to vector<1x1x1xf32>
      %reduce_min3A_264 = vector.extract %reduce_min3A_263[0, 0, 0] : f32 from vector<1x1x1xf32>
      %jit3A_265 = arith.constant 1.000000e+10 : f32
      %broadcast_in_dim3A_266 = vector.broadcast %jit3A_265 : f32 to vector<8x1024xf32>
      %select_n3A_267 = arith.select %eq3A_256, %get3A_254, %broadcast_in_dim3A_266 : vector<8x1024xi1>, vector<8x1024xf32>
      %reduce_min3A_268 = vector.shape_cast %select_n3A_267 : vector<8x1024xf32> to vector<1x8x1024xf32>
      %reduce_min3A_269 = arith.constant dense<0x7F800000> : vector<1xf32>
      %reduce_min3A_270 = vector.multi_reduction <minimumf>, %reduce_min3A_268, %reduce_min3A_269 [1, 2] : vector<1x8x1024xf32> to vector<1xf32>
      %reduce_min3A_271 = vector.shape_cast %reduce_min3A_270 : vector<1xf32> to vector<1x1x1xf32>
      %reduce_min3A_272 = vector.extract %reduce_min3A_271[0, 0, 0] : f32 from vector<1x1x1xf32>
      %sub3A_273 = vector.broadcast %reduce_min3A_264 : f32 to vector<8x1024xf32>
      %sub3A_274 = arith.subf %get3A_249, %sub3A_273 : vector<8x1024xf32>
      %integer_pow3A_275 = arith.mulf %sub3A_274, %sub3A_274 : vector<8x1024xf32>
      %sub3A_276 = vector.broadcast %reduce_min3A_272 : f32 to vector<8x1024xf32>
      %sub3A_277 = arith.subf %get3A_254, %sub3A_276 : vector<8x1024xf32>
      %integer_pow3A_278 = arith.mulf %sub3A_277, %sub3A_277 : vector<8x1024xf32>
      %add3A_279 = arith.addf %integer_pow3A_275, %integer_pow3A_278 : vector<8x1024xf32>
      %get3A_280 = arith.constant 1 : index
      %get3A_281 = arith.constant 0 : index
      %get3A_282 = arith.constant 0 : index
      %get3A_283 = vector.load %arg5[%get3A_280, %get3A_281, %get3A_282] : memref<4x8x1024xf32, #tpu.memory_space<vmem>>, vector<1x8x1024xf32>
      %get3A_284 = vector.shape_cast %get3A_283 : vector<1x8x1024xf32> to vector<8x1024xf32>
      %min3A_285 = arith.minimumf %get3A_284, %add3A_279 : vector<8x1024xf32>
      %swap3A_286 = arith.constant 1 : index
      %swap3A_287 = arith.constant 0 : index
      %swap3A_288 = arith.constant 0 : index
      %swap3A_289 = vector.load %arg5[%swap3A_286, %swap3A_287, %swap3A_288] : memref<4x8x1024xf32, #tpu.memory_space<vmem>>, vector<1x8x1024xf32>
      %swap3A_290 = vector.shape_cast %swap3A_289 : vector<1x8x1024xf32> to vector<8x1024xf32>
      %swap3A_291 = vector.shape_cast %min3A_285 : vector<8x1024xf32> to vector<1x8x1024xf32>
      tpu.vector_store %arg5[%swap3A_286, %swap3A_287, %swap3A_288], %swap3A_291 {strides = array<i32>} : memref<4x8x1024xf32, #tpu.memory_space<vmem>>, vector<1x8x1024xf32>,
      %reduce_max3A_292 = vector.shape_cast %min3A_285 : vector<8x1024xf32> to vector<1x8x1024xf32>
      %reduce_max3A_293 = arith.constant dense<0xFF800000> : vector<1xf32>
      %reduce_max3A_294 = vector.multi_reduction <maximumf>, %reduce_max3A_292, %reduce_max3A_293 [1, 2] : vector<1x8x1024xf32> to vector<1xf32>
      %reduce_max3A_295 = vector.shape_cast %reduce_max3A_294 : vector<1xf32> to vector<1x1x1xf32>
      %reduce_max3A_296 = vector.extract %reduce_max3A_295[0, 0, 0] : f32 from vector<1x1x1xf32>
      %eq3A_297 = vector.broadcast %reduce_max3A_296 : f32 to vector<8x1024xf32>
      %eq3A_298 = arith.cmpf oeq, %min3A_285, %eq3A_297 : vector<8x1024xf32>
      %jit3A_299 = arith.constant 8192 : i32
      %broadcast_in_dim3A_300 = vector.broadcast %jit3A_299 : i32 to vector<8x1024xi32>
      %select_n3A_301 = arith.select %eq3A_298, %add3A, %broadcast_in_dim3A_300 : vector<8x1024xi1>, vector<8x1024xi32>
      %reduce_min3A_302 = vector.shape_cast %select_n3A_301 : vector<8x1024xi32> to vector<1x8x1024xi32>
      %reduce_min3A_303 = arith.constant dense<2147483647> : vector<1xi32>
      %reduce_min3A_304 = vector.multi_reduction <minsi>, %reduce_min3A_302, %reduce_min3A_303 [1, 2] : vector<1x8x1024xi32> to vector<1xi32>
      %reduce_min3A_305 = vector.shape_cast %reduce_min3A_304 : vector<1xi32> to vector<1x1x1xi32>
      %reduce_min3A_306 = vector.extract %reduce_min3A_305[0, 0, 0] : i32 from vector<1x1x1xi32>
      %add3A_307 = arith.constant 8192 : i32
      %add3A_308 = arith.addi %scan3A_146, %add3A_307 : i32
      %get3A_309 = arith.constant 1 : index
      %get3A_310 = arith.constant 0 : index
      %get3A_311 = arith.constant 0 : index
      %get3A_312 = vector.load %arg2[%get3A_309, %get3A_310, %get3A_311] : memref<4x8x64xi32, #tpu.memory_space<vmem>>, vector<1x8x64xi32>
      %get3A_313 = vector.shape_cast %get3A_312 : vector<1x8x64xi32> to vector<8x64xi32>
      %broadcast_in_dim3A_314 = vector.broadcast %add3A_308 : i32 to vector<8x64xi32>
      %select_n3A_315 = arith.select %eq3A_149, %broadcast_in_dim3A_314, %get3A_313 : vector<8x64xi1>, vector<8x64xi32>
      %swap3A_316 = arith.constant 1 : index
      %swap3A_317 = arith.constant 0 : index
      %swap3A_318 = arith.constant 0 : index
      %swap3A_319 = vector.load %arg2[%swap3A_316, %swap3A_317, %swap3A_318] : memref<4x8x64xi32, #tpu.memory_space<vmem>>, vector<1x8x64xi32>
      %swap3A_320 = vector.shape_cast %swap3A_319 : vector<1x8x64xi32> to vector<8x64xi32>
      %swap3A_321 = vector.shape_cast %select_n3A_315 : vector<8x64xi32> to vector<1x8x64xi32>
      tpu.vector_store %arg2[%swap3A_316, %swap3A_317, %swap3A_318], %swap3A_321 {strides = array<i32>} : memref<4x8x64xi32, #tpu.memory_space<vmem>>, vector<1x8x64xi32>,
      %get3A_322 = arith.constant 1 : index
      %get3A_323 = arith.constant 0 : index
      %get3A_324 = arith.constant 0 : index
      %get3A_325 = vector.load %arg3[%get3A_322, %get3A_323, %get3A_324] : memref<4x8x64xf32, #tpu.memory_space<vmem>>, vector<1x8x64xf32>
      %get3A_326 = vector.shape_cast %get3A_325 : vector<1x8x64xf32> to vector<8x64xf32>
      %broadcast_in_dim3A_327 = vector.broadcast %reduce_min3A_264 : f32 to vector<8x64xf32>
      %select_n3A_328 = arith.select %eq3A_149, %broadcast_in_dim3A_327, %get3A_326 : vector<8x64xi1>, vector<8x64xf32>
      %swap3A_329 = arith.constant 1 : index
      %swap3A_330 = arith.constant 0 : index
      %swap3A_331 = arith.constant 0 : index
      %swap3A_332 = vector.load %arg3[%swap3A_329, %swap3A_330, %swap3A_331] : memref<4x8x64xf32, #tpu.memory_space<vmem>>, vector<1x8x64xf32>
      %swap3A_333 = vector.shape_cast %swap3A_332 : vector<1x8x64xf32> to vector<8x64xf32>
      %swap3A_334 = vector.shape_cast %select_n3A_328 : vector<8x64xf32> to vector<1x8x64xf32>
      tpu.vector_store %arg3[%swap3A_329, %swap3A_330, %swap3A_331], %swap3A_334 {strides = array<i32>} : memref<4x8x64xf32, #tpu.memory_space<vmem>>, vector<1x8x64xf32>,
      %get3A_335 = arith.constant 1 : index
      %get3A_336 = arith.constant 0 : index
      %get3A_337 = arith.constant 0 : index
      %get3A_338 = vector.load %arg4[%get3A_335, %get3A_336, %get3A_337] : memref<4x8x64xf32, #tpu.memory_space<vmem>>, vector<1x8x64xf32>
      %get3A_339 = vector.shape_cast %get3A_338 : vector<1x8x64xf32> to vector<8x64xf32>
      %broadcast_in_dim3A_340 = vector.broadcast %reduce_min3A_272 : f32 to vector<8x64xf32>
      %select_n3A_341 = arith.select %eq3A_149, %broadcast_in_dim3A_340, %get3A_339 : vector<8x64xi1>, vector<8x64xf32>
      %swap3A_342 = arith.constant 1 : index
      %swap3A_343 = arith.constant 0 : index
      %swap3A_344 = arith.constant 0 : index
      %swap3A_345 = vector.load %arg4[%swap3A_342, %swap3A_343, %swap3A_344] : memref<4x8x64xf32, #tpu.memory_space<vmem>>, vector<1x8x64xf32>
      %swap3A_346 = vector.shape_cast %swap3A_345 : vector<1x8x64xf32> to vector<8x64xf32>
      %swap3A_347 = vector.shape_cast %select_n3A_341 : vector<8x64xf32> to vector<1x8x64xf32>
      tpu.vector_store %arg4[%swap3A_342, %swap3A_343, %swap3A_344], %swap3A_347 {strides = array<i32>} : memref<4x8x64xf32, #tpu.memory_space<vmem>>, vector<1x8x64xf32>,
      %get3A_348 = arith.constant 2 : index
      %get3A_349 = arith.constant 0 : index
      %get3A_350 = arith.constant 0 : index
      %get3A_351 = vector.load %arg0[%get3A_348, %get3A_349, %get3A_350] : memref<4x8x1024xf32, #tpu.memory_space<vmem>>, vector<1x8x1024xf32>
      %get3A_352 = vector.shape_cast %get3A_351 : vector<1x8x1024xf32> to vector<8x1024xf32>
      %get3A_353 = arith.constant 2 : index
      %get3A_354 = arith.constant 0 : index
      %get3A_355 = arith.constant 0 : index
      %get3A_356 = vector.load %arg1[%get3A_353, %get3A_354, %get3A_355] : memref<4x8x1024xf32, #tpu.memory_space<vmem>>, vector<1x8x1024xf32>
      %get3A_357 = vector.shape_cast %get3A_356 : vector<1x8x1024xf32> to vector<8x1024xf32>
      %eq3A_358 = vector.broadcast %scan3A_147 : i32 to vector<8x1024xi32>
      %eq3A_359 = arith.cmpi eq, %add3A, %eq3A_358 : vector<8x1024xi32>
      %jit3A_360 = arith.constant 1.000000e+10 : f32
      %broadcast_in_dim3A_361 = vector.broadcast %jit3A_360 : f32 to vector<8x1024xf32>
      %select_n3A_362 = arith.select %eq3A_359, %get3A_352, %broadcast_in_dim3A_361 : vector<8x1024xi1>, vector<8x1024xf32>
      %reduce_min3A_363 = vector.shape_cast %select_n3A_362 : vector<8x1024xf32> to vector<1x8x1024xf32>
      %reduce_min3A_364 = arith.constant dense<0x7F800000> : vector<1xf32>
      %reduce_min3A_365 = vector.multi_reduction <minimumf>, %reduce_min3A_363, %reduce_min3A_364 [1, 2] : vector<1x8x1024xf32> to vector<1xf32>
      %reduce_min3A_366 = vector.shape_cast %reduce_min3A_365 : vector<1xf32> to vector<1x1x1xf32>
      %reduce_min3A_367 = vector.extract %reduce_min3A_366[0, 0, 0] : f32 from vector<1x1x1xf32>
      %jit3A_368 = arith.constant 1.000000e+10 : f32
      %broadcast_in_dim3A_369 = vector.broadcast %jit3A_368 : f32 to vector<8x1024xf32>
      %select_n3A_370 = arith.select %eq3A_359, %get3A_357, %broadcast_in_dim3A_369 : vector<8x1024xi1>, vector<8x1024xf32>
      %reduce_min3A_371 = vector.shape_cast %select_n3A_370 : vector<8x1024xf32> to vector<1x8x1024xf32>
      %reduce_min3A_372 = arith.constant dense<0x7F800000> : vector<1xf32>
      %reduce_min3A_373 = vector.multi_reduction <minimumf>, %reduce_min3A_371, %reduce_min3A_372 [1, 2] : vector<1x8x1024xf32> to vector<1xf32>
      %reduce_min3A_374 = vector.shape_cast %reduce_min3A_373 : vector<1xf32> to vector<1x1x1xf32>
      %reduce_min3A_375 = vector.extract %reduce_min3A_374[0, 0, 0] : f32 from vector<1x1x1xf32>
      %sub3A_376 = vector.broadcast %reduce_min3A_367 : f32 to vector<8x1024xf32>
      %sub3A_377 = arith.subf %get3A_352, %sub3A_376 : vector<8x1024xf32>
      %integer_pow3A_378 = arith.mulf %sub3A_377, %sub3A_377 : vector<8x1024xf32>
      %sub3A_379 = vector.broadcast %reduce_min3A_375 : f32 to vector<8x1024xf32>
      %sub3A_380 = arith.subf %get3A_357, %sub3A_379 : vector<8x1024xf32>
      %integer_pow3A_381 = arith.mulf %sub3A_380, %sub3A_380 : vector<8x1024xf32>
      %add3A_382 = arith.addf %integer_pow3A_378, %integer_pow3A_381 : vector<8x1024xf32>
      %get3A_383 = arith.constant 2 : index
      %get3A_384 = arith.constant 0 : index
      %get3A_385 = arith.constant 0 : index
      %get3A_386 = vector.load %arg5[%get3A_383, %get3A_384, %get3A_385] : memref<4x8x1024xf32, #tpu.memory_space<vmem>>, vector<1x8x1024xf32>
      %get3A_387 = vector.shape_cast %get3A_386 : vector<1x8x1024xf32> to vector<8x1024xf32>
      %min3A_388 = arith.minimumf %get3A_387, %add3A_382 : vector<8x1024xf32>
      %swap3A_389 = arith.constant 2 : index
      %swap3A_390 = arith.constant 0 : index
      %swap3A_391 = arith.constant 0 : index
      %swap3A_392 = vector.load %arg5[%swap3A_389, %swap3A_390, %swap3A_391] : memref<4x8x1024xf32, #tpu.memory_space<vmem>>, vector<1x8x1024xf32>
      %swap3A_393 = vector.shape_cast %swap3A_392 : vector<1x8x1024xf32> to vector<8x1024xf32>
      %swap3A_394 = vector.shape_cast %min3A_388 : vector<8x1024xf32> to vector<1x8x1024xf32>
      tpu.vector_store %arg5[%swap3A_389, %swap3A_390, %swap3A_391], %swap3A_394 {strides = array<i32>} : memref<4x8x1024xf32, #tpu.memory_space<vmem>>, vector<1x8x1024xf32>,
      %reduce_max3A_395 = vector.shape_cast %min3A_388 : vector<8x1024xf32> to vector<1x8x1024xf32>
      %reduce_max3A_396 = arith.constant dense<0xFF800000> : vector<1xf32>
      %reduce_max3A_397 = vector.multi_reduction <maximumf>, %reduce_max3A_395, %reduce_max3A_396 [1, 2] : vector<1x8x1024xf32> to vector<1xf32>
      %reduce_max3A_398 = vector.shape_cast %reduce_max3A_397 : vector<1xf32> to vector<1x1x1xf32>
      %reduce_max3A_399 = vector.extract %reduce_max3A_398[0, 0, 0] : f32 from vector<1x1x1xf32>
      %eq3A_400 = vector.broadcast %reduce_max3A_399 : f32 to vector<8x1024xf32>
      %eq3A_401 = arith.cmpf oeq, %min3A_388, %eq3A_400 : vector<8x1024xf32>
      %jit3A_402 = arith.constant 8192 : i32
      %broadcast_in_dim3A_403 = vector.broadcast %jit3A_402 : i32 to vector<8x1024xi32>
      %select_n3A_404 = arith.select %eq3A_401, %add3A, %broadcast_in_dim3A_403 : vector<8x1024xi1>, vector<8x1024xi32>
      %reduce_min3A_405 = vector.shape_cast %select_n3A_404 : vector<8x1024xi32> to vector<1x8x1024xi32>
      %reduce_min3A_406 = arith.constant dense<2147483647> : vector<1xi32>
      %reduce_min3A_407 = vector.multi_reduction <minsi>, %reduce_min3A_405, %reduce_min3A_406 [1, 2] : vector<1x8x1024xi32> to vector<1xi32>
      %reduce_min3A_408 = vector.shape_cast %reduce_min3A_407 : vector<1xi32> to vector<1x1x1xi32>
      %reduce_min3A_409 = vector.extract %reduce_min3A_408[0, 0, 0] : i32 from vector<1x1x1xi32>
      %add3A_410 = arith.constant 16384 : i32
      %add3A_411 = arith.addi %scan3A_147, %add3A_410 : i32
      %get3A_412 = arith.constant 2 : index
      %get3A_413 = arith.constant 0 : index
      %get3A_414 = arith.constant 0 : index
      %get3A_415 = vector.load %arg2[%get3A_412, %get3A_413, %get3A_414] : memref<4x8x64xi32, #tpu.memory_space<vmem>>, vector<1x8x64xi32>
      %get3A_416 = vector.shape_cast %get3A_415 : vector<1x8x64xi32> to vector<8x64xi32>
      %broadcast_in_dim3A_417 = vector.broadcast %add3A_411 : i32 to vector<8x64xi32>
      %select_n3A_418 = arith.select %eq3A_149, %broadcast_in_dim3A_417, %get3A_416 : vector<8x64xi1>, vector<8x64xi32>
      %swap3A_419 = arith.constant 2 : index
      %swap3A_420 = arith.constant 0 : index
      %swap3A_421 = arith.constant 0 : index
      %swap3A_422 = vector.load %arg2[%swap3A_419, %swap3A_420, %swap3A_421] : memref<4x8x64xi32, #tpu.memory_space<vmem>>, vector<1x8x64xi32>
      %swap3A_423 = vector.shape_cast %swap3A_422 : vector<1x8x64xi32> to vector<8x64xi32>
      %swap3A_424 = vector.shape_cast %select_n3A_418 : vector<8x64xi32> to vector<1x8x64xi32>
      tpu.vector_store %arg2[%swap3A_419, %swap3A_420, %swap3A_421], %swap3A_424 {strides = array<i32>} : memref<4x8x64xi32, #tpu.memory_space<vmem>>, vector<1x8x64xi32>,
      %get3A_425 = arith.constant 2 : index
      %get3A_426 = arith.constant 0 : index
      %get3A_427 = arith.constant 0 : index
      %get3A_428 = vector.load %arg3[%get3A_425, %get3A_426, %get3A_427] : memref<4x8x64xf32, #tpu.memory_space<vmem>>, vector<1x8x64xf32>
      %get3A_429 = vector.shape_cast %get3A_428 : vector<1x8x64xf32> to vector<8x64xf32>
      %broadcast_in_dim3A_430 = vector.broadcast %reduce_min3A_367 : f32 to vector<8x64xf32>
      %select_n3A_431 = arith.select %eq3A_149, %broadcast_in_dim3A_430, %get3A_429 : vector<8x64xi1>, vector<8x64xf32>
      %swap3A_432 = arith.constant 2 : index
      %swap3A_433 = arith.constant 0 : index
      %swap3A_434 = arith.constant 0 : index
      %swap3A_435 = vector.load %arg3[%swap3A_432, %swap3A_433, %swap3A_434] : memref<4x8x64xf32, #tpu.memory_space<vmem>>, vector<1x8x64xf32>
      %swap3A_436 = vector.shape_cast %swap3A_435 : vector<1x8x64xf32> to vector<8x64xf32>
      %swap3A_437 = vector.shape_cast %select_n3A_431 : vector<8x64xf32> to vector<1x8x64xf32>
      tpu.vector_store %arg3[%swap3A_432, %swap3A_433, %swap3A_434], %swap3A_437 {strides = array<i32>} : memref<4x8x64xf32, #tpu.memory_space<vmem>>, vector<1x8x64xf32>,
      %get3A_438 = arith.constant 2 : index
      %get3A_439 = arith.constant 0 : index
      %get3A_440 = arith.constant 0 : index
      %get3A_441 = vector.load %arg4[%get3A_438, %get3A_439, %get3A_440] : memref<4x8x64xf32, #tpu.memory_space<vmem>>, vector<1x8x64xf32>
      %get3A_442 = vector.shape_cast %get3A_441 : vector<1x8x64xf32> to vector<8x64xf32>
      %broadcast_in_dim3A_443 = vector.broadcast %reduce_min3A_375 : f32 to vector<8x64xf32>
      %select_n3A_444 = arith.select %eq3A_149, %broadcast_in_dim3A_443, %get3A_442 : vector<8x64xi1>, vector<8x64xf32>
      %swap3A_445 = arith.constant 2 : index
      %swap3A_446 = arith.constant 0 : index
      %swap3A_447 = arith.constant 0 : index
      %swap3A_448 = vector.load %arg4[%swap3A_445, %swap3A_446, %swap3A_447] : memref<4x8x64xf32, #tpu.memory_space<vmem>>, vector<1x8x64xf32>
      %swap3A_449 = vector.shape_cast %swap3A_448 : vector<1x8x64xf32> to vector<8x64xf32>
      %swap3A_450 = vector.shape_cast %select_n3A_444 : vector<8x64xf32> to vector<1x8x64xf32>
      tpu.vector_store %arg4[%swap3A_445, %swap3A_446, %swap3A_447], %swap3A_450 {strides = array<i32>} : memref<4x8x64xf32, #tpu.memory_space<vmem>>, vector<1x8x64xf32>,
      %get3A_451 = arith.constant 3 : index
      %get3A_452 = arith.constant 0 : index
      %get3A_453 = arith.constant 0 : index
      %get3A_454 = vector.load %arg0[%get3A_451, %get3A_452, %get3A_453] : memref<4x8x1024xf32, #tpu.memory_space<vmem>>, vector<1x8x1024xf32>
      %get3A_455 = vector.shape_cast %get3A_454 : vector<1x8x1024xf32> to vector<8x1024xf32>
      %get3A_456 = arith.constant 3 : index
      %get3A_457 = arith.constant 0 : index
      %get3A_458 = arith.constant 0 : index
      %get3A_459 = vector.load %arg1[%get3A_456, %get3A_457, %get3A_458] : memref<4x8x1024xf32, #tpu.memory_space<vmem>>, vector<1x8x1024xf32>
      %get3A_460 = vector.shape_cast %get3A_459 : vector<1x8x1024xf32> to vector<8x1024xf32>
      %eq3A_461 = vector.broadcast %scan3A_148 : i32 to vector<8x1024xi32>
      %eq3A_462 = arith.cmpi eq, %add3A, %eq3A_461 : vector<8x1024xi32>
      %jit3A_463 = arith.constant 1.000000e+10 : f32
      %broadcast_in_dim3A_464 = vector.broadcast %jit3A_463 : f32 to vector<8x1024xf32>
      %select_n3A_465 = arith.select %eq3A_462, %get3A_455, %broadcast_in_dim3A_464 : vector<8x1024xi1>, vector<8x1024xf32>
      %reduce_min3A_466 = vector.shape_cast %select_n3A_465 : vector<8x1024xf32> to vector<1x8x1024xf32>
      %reduce_min3A_467 = arith.constant dense<0x7F800000> : vector<1xf32>
      %reduce_min3A_468 = vector.multi_reduction <minimumf>, %reduce_min3A_466, %reduce_min3A_467 [1, 2] : vector<1x8x1024xf32> to vector<1xf32>
      %reduce_min3A_469 = vector.shape_cast %reduce_min3A_468 : vector<1xf32> to vector<1x1x1xf32>
      %reduce_min3A_470 = vector.extract %reduce_min3A_469[0, 0, 0] : f32 from vector<1x1x1xf32>
      %jit3A_471 = arith.constant 1.000000e+10 : f32
      %broadcast_in_dim3A_472 = vector.broadcast %jit3A_471 : f32 to vector<8x1024xf32>
      %select_n3A_473 = arith.select %eq3A_462, %get3A_460, %broadcast_in_dim3A_472 : vector<8x1024xi1>, vector<8x1024xf32>
      %reduce_min3A_474 = vector.shape_cast %select_n3A_473 : vector<8x1024xf32> to vector<1x8x1024xf32>
      %reduce_min3A_475 = arith.constant dense<0x7F800000> : vector<1xf32>
      %reduce_min3A_476 = vector.multi_reduction <minimumf>, %reduce_min3A_474, %reduce_min3A_475 [1, 2] : vector<1x8x1024xf32> to vector<1xf32>
      %reduce_min3A_477 = vector.shape_cast %reduce_min3A_476 : vector<1xf32> to vector<1x1x1xf32>
      %reduce_min3A_478 = vector.extract %reduce_min3A_477[0, 0, 0] : f32 from vector<1x1x1xf32>
      %sub3A_479 = vector.broadcast %reduce_min3A_470 : f32 to vector<8x1024xf32>
      %sub3A_480 = arith.subf %get3A_455, %sub3A_479 : vector<8x1024xf32>
      %integer_pow3A_481 = arith.mulf %sub3A_480, %sub3A_480 : vector<8x1024xf32>
      %sub3A_482 = vector.broadcast %reduce_min3A_478 : f32 to vector<8x1024xf32>
      %sub3A_483 = arith.subf %get3A_460, %sub3A_482 : vector<8x1024xf32>
      %integer_pow3A_484 = arith.mulf %sub3A_483, %sub3A_483 : vector<8x1024xf32>
      %add3A_485 = arith.addf %integer_pow3A_481, %integer_pow3A_484 : vector<8x1024xf32>
      %get3A_486 = arith.constant 3 : index
      %get3A_487 = arith.constant 0 : index
      %get3A_488 = arith.constant 0 : index
      %get3A_489 = vector.load %arg5[%get3A_486, %get3A_487, %get3A_488] : memref<4x8x1024xf32, #tpu.memory_space<vmem>>, vector<1x8x1024xf32>
      %get3A_490 = vector.shape_cast %get3A_489 : vector<1x8x1024xf32> to vector<8x1024xf32>
      %min3A_491 = arith.minimumf %get3A_490, %add3A_485 : vector<8x1024xf32>
      %swap3A_492 = arith.constant 3 : index
      %swap3A_493 = arith.constant 0 : index
      %swap3A_494 = arith.constant 0 : index
      %swap3A_495 = vector.load %arg5[%swap3A_492, %swap3A_493, %swap3A_494] : memref<4x8x1024xf32, #tpu.memory_space<vmem>>, vector<1x8x1024xf32>
      %swap3A_496 = vector.shape_cast %swap3A_495 : vector<1x8x1024xf32> to vector<8x1024xf32>
      %swap3A_497 = vector.shape_cast %min3A_491 : vector<8x1024xf32> to vector<1x8x1024xf32>
      tpu.vector_store %arg5[%swap3A_492, %swap3A_493, %swap3A_494], %swap3A_497 {strides = array<i32>} : memref<4x8x1024xf32, #tpu.memory_space<vmem>>, vector<1x8x1024xf32>,
      %reduce_max3A_498 = vector.shape_cast %min3A_491 : vector<8x1024xf32> to vector<1x8x1024xf32>
      %reduce_max3A_499 = arith.constant dense<0xFF800000> : vector<1xf32>
      %reduce_max3A_500 = vector.multi_reduction <maximumf>, %reduce_max3A_498, %reduce_max3A_499 [1, 2] : vector<1x8x1024xf32> to vector<1xf32>
      %reduce_max3A_501 = vector.shape_cast %reduce_max3A_500 : vector<1xf32> to vector<1x1x1xf32>
      %reduce_max3A_502 = vector.extract %reduce_max3A_501[0, 0, 0] : f32 from vector<1x1x1xf32>
      %eq3A_503 = vector.broadcast %reduce_max3A_502 : f32 to vector<8x1024xf32>
      %eq3A_504 = arith.cmpf oeq, %min3A_491, %eq3A_503 : vector<8x1024xf32>
      %jit3A_505 = arith.constant 8192 : i32
      %broadcast_in_dim3A_506 = vector.broadcast %jit3A_505 : i32 to vector<8x1024xi32>
      %select_n3A_507 = arith.select %eq3A_504, %add3A, %broadcast_in_dim3A_506 : vector<8x1024xi1>, vector<8x1024xi32>
      %reduce_min3A_508 = vector.shape_cast %select_n3A_507 : vector<8x1024xi32> to vector<1x8x1024xi32>
      %reduce_min3A_509 = arith.constant dense<2147483647> : vector<1xi32>
      %reduce_min3A_510 = vector.multi_reduction <minsi>, %reduce_min3A_508, %reduce_min3A_509 [1, 2] : vector<1x8x1024xi32> to vector<1xi32>
      %reduce_min3A_511 = vector.shape_cast %reduce_min3A_510 : vector<1xi32> to vector<1x1x1xi32>
      %reduce_min3A_512 = vector.extract %reduce_min3A_511[0, 0, 0] : i32 from vector<1x1x1xi32>
      %add3A_513 = arith.constant 24576 : i32
      %add3A_514 = arith.addi %scan3A_148, %add3A_513 : i32
      %get3A_515 = arith.constant 3 : index
      %get3A_516 = arith.constant 0 : index
      %get3A_517 = arith.constant 0 : index
      %get3A_518 = vector.load %arg2[%get3A_515, %get3A_516, %get3A_517] : memref<4x8x64xi32, #tpu.memory_space<vmem>>, vector<1x8x64xi32>
      %get3A_519 = vector.shape_cast %get3A_518 : vector<1x8x64xi32> to vector<8x64xi32>
      %broadcast_in_dim3A_520 = vector.broadcast %add3A_514 : i32 to vector<8x64xi32>
      %select_n3A_521 = arith.select %eq3A_149, %broadcast_in_dim3A_520, %get3A_519 : vector<8x64xi1>, vector<8x64xi32>
      %swap3A_522 = arith.constant 3 : index
      %swap3A_523 = arith.constant 0 : index
      %swap3A_524 = arith.constant 0 : index
      %swap3A_525 = vector.load %arg2[%swap3A_522, %swap3A_523, %swap3A_524] : memref<4x8x64xi32, #tpu.memory_space<vmem>>, vector<1x8x64xi32>
      %swap3A_526 = vector.shape_cast %swap3A_525 : vector<1x8x64xi32> to vector<8x64xi32>
      %swap3A_527 = vector.shape_cast %select_n3A_521 : vector<8x64xi32> to vector<1x8x64xi32>
      tpu.vector_store %arg2[%swap3A_522, %swap3A_523, %swap3A_524], %swap3A_527 {strides = array<i32>} : memref<4x8x64xi32, #tpu.memory_space<vmem>>, vector<1x8x64xi32>,
      %get3A_528 = arith.constant 3 : index
      %get3A_529 = arith.constant 0 : index
      %get3A_530 = arith.constant 0 : index
      %get3A_531 = vector.load %arg3[%get3A_528, %get3A_529, %get3A_530] : memref<4x8x64xf32, #tpu.memory_space<vmem>>, vector<1x8x64xf32>
      %get3A_532 = vector.shape_cast %get3A_531 : vector<1x8x64xf32> to vector<8x64xf32>
      %broadcast_in_dim3A_533 = vector.broadcast %reduce_min3A_470 : f32 to vector<8x64xf32>
      %select_n3A_534 = arith.select %eq3A_149, %broadcast_in_dim3A_533, %get3A_532 : vector<8x64xi1>, vector<8x64xf32>
      %swap3A_535 = arith.constant 3 : index
      %swap3A_536 = arith.constant 0 : index
      %swap3A_537 = arith.constant 0 : index
      %swap3A_538 = vector.load %arg3[%swap3A_535, %swap3A_536, %swap3A_537] : memref<4x8x64xf32, #tpu.memory_space<vmem>>, vector<1x8x64xf32>
      %swap3A_539 = vector.shape_cast %swap3A_538 : vector<1x8x64xf32> to vector<8x64xf32>
      %swap3A_540 = vector.shape_cast %select_n3A_534 : vector<8x64xf32> to vector<1x8x64xf32>
      tpu.vector_store %arg3[%swap3A_535, %swap3A_536, %swap3A_537], %swap3A_540 {strides = array<i32>} : memref<4x8x64xf32, #tpu.memory_space<vmem>>, vector<1x8x64xf32>,
      %get3A_541 = arith.constant 3 : index
      %get3A_542 = arith.constant 0 : index
      %get3A_543 = arith.constant 0 : index
      %get3A_544 = vector.load %arg4[%get3A_541, %get3A_542, %get3A_543] : memref<4x8x64xf32, #tpu.memory_space<vmem>>, vector<1x8x64xf32>
      %get3A_545 = vector.shape_cast %get3A_544 : vector<1x8x64xf32> to vector<8x64xf32>
      %broadcast_in_dim3A_546 = vector.broadcast %reduce_min3A_478 : f32 to vector<8x64xf32>
      %select_n3A_547 = arith.select %eq3A_149, %broadcast_in_dim3A_546, %get3A_545 : vector<8x64xi1>, vector<8x64xf32>
      %swap3A_548 = arith.constant 3 : index
      %swap3A_549 = arith.constant 0 : index
      %swap3A_550 = arith.constant 0 : index
      %swap3A_551 = vector.load %arg4[%swap3A_548, %swap3A_549, %swap3A_550] : memref<4x8x64xf32, #tpu.memory_space<vmem>>, vector<1x8x64xf32>
      %swap3A_552 = vector.shape_cast %swap3A_551 : vector<1x8x64xf32> to vector<8x64xf32>
      %swap3A_553 = vector.shape_cast %select_n3A_547 : vector<8x64xf32> to vector<1x8x64xf32>
      tpu.vector_store %arg4[%swap3A_548, %swap3A_549, %swap3A_550], %swap3A_553 {strides = array<i32>} : memref<4x8x64xf32, #tpu.memory_space<vmem>>, vector<1x8x64xf32>,
      scf.yield %reduce_min3A_203, %reduce_min3A_306, %reduce_min3A_409, %reduce_min3A_512 : i32, i32, i32, i32
    }
    %scan3A_143 = arith.constant 512 : i32
    return
  }
}

module attributes {stable_mosaic.version = 14 : i64} {
  func.func @_prep_body(%arg0: i32, %arg1: memref<1x8192x2xf32, #tpu.memory_space<vmem>>, %arg2: memref<1x1x8192xf32, #tpu.memory_space<vmem>>, %arg3: memref<1x1x8192xf32, #tpu.memory_space<vmem>>, %arg4: memref<1x8192x64xf32, #tpu.memory_space<vmem>>, %arg5: memref<1x8192x128xf32, #tpu.memory_space<vmem>>, %arg6: memref<1x1x8192xf32, #tpu.memory_space<vmem>>, %arg7: memref<1x1x8192xf32, #tpu.memory_space<vmem>>, %arg8: memref<1x1x8192xf32, #tpu.memory_space<vmem>>) attributes {dimension_semantics = [#tpu.dimension_semantics<arbitrary>], iteration_bounds = array<i64: 4>, scalar_prefetch = 0 : i64, scratch_operands = 0 : i64, tpu.core_type = #tpu.core_type<tc>, window_params = [{transform_indices = @transform_0, window_bounds = array<i64: 1, 8192, 2>}, {transform_indices = @transform_1, window_bounds = array<i64: 1, 1, 8192>}, {transform_indices = @transform_2, window_bounds = array<i64: 1, 1, 8192>}, {transform_indices = @transform_3, window_bounds = array<i64: 1, 8192, 64>}, {transform_indices = @transform_4, window_bounds = array<i64: 1, 8192, 128>}, {transform_indices = @transform_5, window_bounds = array<i64: 1, 1, 8192>}, {transform_indices = @transform_6, window_bounds = array<i64: 1, 1, 8192>}, {transform_indices = @transform_7, window_bounds = array<i64: 1, 1, 8192>}]} {
    %get3A = arith.constant 0 : index
    %get3A_0 = arith.constant 0 : index
    %get3A_1 = arith.constant 0 : index
    %get3A_2 = vector.load %arg2[%get3A, %get3A_0, %get3A_1] : memref<1x1x8192xf32, #tpu.memory_space<vmem>>, vector<1x1x8192xf32>
    %get3A_3 = vector.shape_cast %get3A_2 : vector<1x1x8192xf32> to vector<1x8192xf32>
    %get3A_4 = arith.constant 0 : index
    %get3A_5 = arith.constant 0 : index
    %get3A_6 = arith.constant 0 : index
    %get3A_7 = vector.load %arg3[%get3A_4, %get3A_5, %get3A_6] : memref<1x1x8192xf32, #tpu.memory_space<vmem>>, vector<1x1x8192xf32>
    %get3A_8 = vector.shape_cast %get3A_7 : vector<1x1x8192xf32> to vector<1x8192xf32>
    %get3A_9 = arith.constant 0 : index
    %get3A_10 = arith.constant 0 : index
    %get3A_11 = arith.constant 0 : index
    %get3A_12 = vector.load %arg4[%get3A_9, %get3A_10, %get3A_11] : memref<1x8192x64xf32, #tpu.memory_space<vmem>>, vector<1x8192x64xf32>
    %get3A_13 = vector.shape_cast %get3A_12 : vector<1x8192x64xf32> to vector<8192x64xf32>
    %swap3A = arith.constant 0 : index
    %swap3A_14 = arith.constant 0 : index
    %swap3A_15 = arith.constant 0 : index
    %swap3A_16 = vector.load %arg5[%swap3A, %swap3A_14, %swap3A_15] : memref<1x8192x128xf32, #tpu.memory_space<vmem>>, vector<1x8192x64xf32>
    %swap3A_17 = vector.shape_cast %swap3A_16 : vector<1x8192x64xf32> to vector<8192x64xf32>
    %swap3A_18 = vector.shape_cast %get3A_13 : vector<8192x64xf32> to vector<1x8192x64xf32>
    tpu.vector_store %arg5[%swap3A, %swap3A_14, %swap3A_15], %swap3A_18 {strides = array<i32>} : memref<1x8192x128xf32, #tpu.memory_space<vmem>>, vector<1x8192x64xf32>,
    %get3A_19 = arith.constant 0 : index
    %get3A_20 = arith.constant 0 : index
    %get3A_21 = arith.constant 0 : index
    %get3A_22 = vector.load %arg1[%get3A_19, %get3A_20, %get3A_21] : memref<1x8192x2xf32, #tpu.memory_space<vmem>>, vector<1x8192x2xf32>
    %get3A_23 = vector.shape_cast %get3A_22 : vector<1x8192x2xf32> to vector<8192x2xf32>
    %swap3A_24 = arith.constant 0 : index
    %swap3A_25 = arith.constant 0 : index
    %swap3A_26 = arith.constant 64 : index
    %swap3A_27 = vector.load %arg5[%swap3A_24, %swap3A_25, %swap3A_26] : memref<1x8192x128xf32, #tpu.memory_space<vmem>>, vector<1x8192x2xf32>
    %swap3A_28 = vector.shape_cast %swap3A_27 : vector<1x8192x2xf32> to vector<8192x2xf32>
    %swap3A_29 = vector.shape_cast %get3A_23 : vector<8192x2xf32> to vector<1x8192x2xf32>
    tpu.vector_store %arg5[%swap3A_24, %swap3A_25, %swap3A_26], %swap3A_29 {strides = array<i32>} : memref<1x8192x128xf32, #tpu.memory_space<vmem>>, vector<1x8192x2xf32>,
    %broadcast_in_dim3A = arith.constant 0.000000e+00 : f32
    %broadcast_in_dim3A_30 = vector.broadcast %broadcast_in_dim3A : f32 to vector<8192x62xf32>
    %swap3A_31 = arith.constant 0 : index
    %swap3A_32 = arith.constant 0 : index
    %swap3A_33 = arith.constant 66 : index
    %swap3A_34 = vector.load %arg5[%swap3A_31, %swap3A_32, %swap3A_33] : memref<1x8192x128xf32, #tpu.memory_space<vmem>>, vector<1x8192x62xf32>
    %swap3A_35 = vector.shape_cast %swap3A_34 : vector<1x8192x62xf32> to vector<8192x62xf32>
    %swap3A_36 = vector.shape_cast %broadcast_in_dim3A_30 : vector<8192x62xf32> to vector<1x8192x62xf32>
    tpu.vector_store %arg5[%swap3A_31, %swap3A_32, %swap3A_33], %swap3A_36 {strides = array<i32>} : memref<1x8192x128xf32, #tpu.memory_space<vmem>>, vector<1x8192x62xf32>,
    %convert_element_type3A = arith.truncf %get3A_3 : vector<1x8192xf32> to vector<1x8192xbf16>
    %convert_element_type3A_37 = arith.extf %convert_element_type3A : vector<1x8192xbf16> to vector<1x8192xf32>
    %swap3A_38 = arith.constant 0 : index
    %swap3A_39 = arith.constant 0 : index
    %swap3A_40 = arith.constant 0 : index
    %swap3A_41 = vector.load %arg6[%swap3A_38, %swap3A_39, %swap3A_40] : memref<1x1x8192xf32, #tpu.memory_space<vmem>>, vector<1x1x8192xf32>
    %swap3A_42 = vector.shape_cast %swap3A_41 : vector<1x1x8192xf32> to vector<1x8192xf32>
    %swap3A_43 = vector.shape_cast %convert_element_type3A_37 : vector<1x8192xf32> to vector<1x1x8192xf32>
    tpu.vector_store %arg6[%swap3A_38, %swap3A_39, %swap3A_40], %swap3A_43 {strides = array<i32>} : memref<1x1x8192xf32, #tpu.memory_space<vmem>>, vector<1x1x8192xf32>,
    %convert_element_type3A_44 = arith.truncf %get3A_8 : vector<1x8192xf32> to vector<1x8192xbf16>
    %convert_element_type3A_45 = arith.extf %convert_element_type3A_44 : vector<1x8192xbf16> to vector<1x8192xf32>
    %swap3A_46 = arith.constant 0 : index
    %swap3A_47 = arith.constant 0 : index
    %swap3A_48 = arith.constant 0 : index
    %swap3A_49 = vector.load %arg7[%swap3A_46, %swap3A_47, %swap3A_48] : memref<1x1x8192xf32, #tpu.memory_space<vmem>>, vector<1x1x8192xf32>
    %swap3A_50 = vector.shape_cast %swap3A_49 : vector<1x1x8192xf32> to vector<1x8192xf32>
    %swap3A_51 = vector.shape_cast %convert_element_type3A_45 : vector<1x8192xf32> to vector<1x1x8192xf32>
    tpu.vector_store %arg7[%swap3A_46, %swap3A_47, %swap3A_48], %swap3A_51 {strides = array<i32>} : memref<1x1x8192xf32, #tpu.memory_space<vmem>>, vector<1x1x8192xf32>,
    %mul3A = arith.mulf %get3A_3, %get3A_3 : vector<1x8192xf32>
    %mul3A_52 = arith.mulf %get3A_8, %get3A_8 : vector<1x8192xf32>
    %add3A = arith.addf %mul3A, %mul3A_52 : vector<1x8192xf32>
    %swap3A_53 = arith.constant 0 : index
    %swap3A_54 = arith.constant 0 : index
    %swap3A_55 = arith.constant 0 : index
    %swap3A_56 = vector.load %arg8[%swap3A_53, %swap3A_54, %swap3A_55] : memref<1x1x8192xf32, #tpu.memory_space<vmem>>, vector<1x1x8192xf32>
    %swap3A_57 = vector.shape_cast %swap3A_56 : vector<1x1x8192xf32> to vector<1x8192xf32>
    %swap3A_58 = vector.shape_cast %add3A : vector<1x8192xf32> to vector<1x1x8192xf32>
    tpu.vector_store %arg8[%swap3A_53, %swap3A_54, %swap3A_55], %swap3A_58 {strides = array<i32>} : memref<1x1x8192xf32, #tpu.memory_space<vmem>>, vector<1x1x8192xf32>,
    return
  }
  func.func @transform_0(%arg0: i32) -> (i32, i32, i32) {
    %c0_i32 = arith.constant 0 : i32
    %c0_i32_0 = arith.constant 0 : i32
    %c0_i32_1 = arith.constant 0 : i32
    return %arg0, %c0_i32, %c0_i32_0 : i32, i32, i32
  }
  func.func @transform_1(%arg0: i32) -> (i32, i32, i32) {
    %c0_i32 = arith.constant 0 : i32
    %c0_i32_0 = arith.constant 0 : i32
    %c0_i32_1 = arith.constant 0 : i32
    return %arg0, %c0_i32, %c0_i32_0 : i32, i32, i32
  }
  func.func @transform_2(%arg0: i32) -> (i32, i32, i32) {
    %c0_i32 = arith.constant 0 : i32
    %c0_i32_0 = arith.constant 0 : i32
    %c0_i32_1 = arith.constant 0 : i32
    return %arg0, %c0_i32, %c0_i32_0 : i32, i32, i32
  }
  func.func @transform_3(%arg0: i32) -> (i32, i32, i32) {
    %c0_i32 = arith.constant 0 : i32
    %c0_i32_0 = arith.constant 0 : i32
    %c0_i32_1 = arith.constant 0 : i32
    return %arg0, %c0_i32, %c0_i32_0 : i32, i32, i32
  }
  func.func @transform_4(%arg0: i32) -> (i32, i32, i32) {
    %c0_i32 = arith.constant 0 : i32
    %c0_i32_0 = arith.constant 0 : i32
    %c0_i32_1 = arith.constant 0 : i32
    return %arg0, %c0_i32, %c0_i32_0 : i32, i32, i32
  }
  func.func @transform_5(%arg0: i32) -> (i32, i32, i32) {
    %c0_i32 = arith.constant 0 : i32
    %c0_i32_0 = arith.constant 0 : i32
    %c0_i32_1 = arith.constant 0 : i32
    return %arg0, %c0_i32, %c0_i32_0 : i32, i32, i32
  }
  func.func @transform_6(%arg0: i32) -> (i32, i32, i32) {
    %c0_i32 = arith.constant 0 : i32
    %c0_i32_0 = arith.constant 0 : i32
    %c0_i32_1 = arith.constant 0 : i32
    return %arg0, %c0_i32, %c0_i32_0 : i32, i32, i32
  }
  func.func @transform_7(%arg0: i32) -> (i32, i32, i32) {
    %c0_i32 = arith.constant 0 : i32
    %c0_i32_0 = arith.constant 0 : i32
    %c0_i32_1 = arith.constant 0 : i32
    return %arg0, %c0_i32, %c0_i32_0 : i32, i32, i32
  }
}

module attributes {stable_mosaic.version = 14 : i64} {
  func.func @_knn_body(%arg0: i32, %arg1: i32, %arg2: memref<1x1x8192xf32, #tpu.memory_space<vmem>>, %arg3: memref<1x1x8192xf32, #tpu.memory_space<vmem>>, %arg4: memref<1x1x8192xf32, #tpu.memory_space<vmem>>, %arg5: memref<1x8x1xf32, #tpu.memory_space<vmem>>, %arg6: memref<1x8x1xf32, #tpu.memory_space<vmem>>, %arg7: memref<1x8x32xi32, #tpu.memory_space<vmem>>) attributes {dimension_semantics = [#tpu.dimension_semantics<arbitrary>, #tpu.dimension_semantics<arbitrary>], iteration_bounds = array<i64: 4, 64>, scalar_prefetch = 0 : i64, scratch_operands = 0 : i64, tpu.core_type = #tpu.core_type<tc>, window_params = [{transform_indices = @transform_0, window_bounds = array<i64: 1, 1, 8192>}, {transform_indices = @transform_1, window_bounds = array<i64: 1, 1, 8192>}, {transform_indices = @transform_2, window_bounds = array<i64: 1, 1, 8192>}, {transform_indices = @transform_3, window_bounds = array<i64: 1, 8, 1>}, {transform_indices = @transform_4, window_bounds = array<i64: 1, 8, 1>}, {transform_indices = @transform_5, window_bounds = array<i64: 1, 8, 32>}]} {
    %get3A = arith.constant 0 : index
    %get3A_0 = arith.constant 0 : index
    %get3A_1 = arith.constant 0 : index
    %get3A_2 = vector.load %arg5[%get3A, %get3A_0, %get3A_1] : memref<1x8x1xf32, #tpu.memory_space<vmem>>, vector<1x8x1xf32>
    %get3A_3 = vector.shape_cast %get3A_2 : vector<1x8x1xf32> to vector<8x1xf32>
    %get3A_4 = arith.constant 0 : index
    %get3A_5 = arith.constant 0 : index
    %get3A_6 = arith.constant 0 : index
    %get3A_7 = vector.load %arg6[%get3A_4, %get3A_5, %get3A_6] : memref<1x8x1xf32, #tpu.memory_space<vmem>>, vector<1x8x1xf32>
    %get3A_8 = vector.shape_cast %get3A_7 : vector<1x8x1xf32> to vector<8x1xf32>
    %convert_element_type3A = arith.truncf %get3A_3 : vector<8x1xf32> to vector<8x1xbf16>
    %convert_element_type3A_9 = arith.extf %convert_element_type3A : vector<8x1xbf16> to vector<8x1xf32>
    %convert_element_type3A_10 = arith.truncf %get3A_8 : vector<8x1xf32> to vector<8x1xbf16>
    %convert_element_type3A_11 = arith.extf %convert_element_type3A_10 : vector<8x1xbf16> to vector<8x1xf32>
    %mul3A = arith.mulf %get3A_3, %get3A_3 : vector<8x1xf32>
    %mul3A_12 = arith.mulf %get3A_8, %get3A_8 : vector<8x1xf32>
    %add3A = arith.addf %mul3A, %mul3A_12 : vector<8x1xf32>
    %get3A_13 = arith.constant 0 : index
    %get3A_14 = arith.constant 0 : index
    %get3A_15 = arith.constant 0 : index
    %get3A_16 = vector.load %arg2[%get3A_13, %get3A_14, %get3A_15] : memref<1x1x8192xf32, #tpu.memory_space<vmem>>, vector<1x1x8192xf32>
    %get3A_17 = vector.shape_cast %get3A_16 : vector<1x1x8192xf32> to vector<1x8192xf32>
    %get3A_18 = arith.constant 0 : index
    %get3A_19 = arith.constant 0 : index
    %get3A_20 = arith.constant 0 : index
    %get3A_21 = vector.load %arg3[%get3A_18, %get3A_19, %get3A_20] : memref<1x1x8192xf32, #tpu.memory_space<vmem>>, vector<1x1x8192xf32>
    %get3A_22 = vector.shape_cast %get3A_21 : vector<1x1x8192xf32> to vector<1x8192xf32>
    %get3A_23 = arith.constant 0 : index
    %get3A_24 = arith.constant 0 : index
    %get3A_25 = arith.constant 0 : index
    %get3A_26 = vector.load %arg4[%get3A_23, %get3A_24, %get3A_25] : memref<1x1x8192xf32, #tpu.memory_space<vmem>>, vector<1x1x8192xf32>
    %get3A_27 = vector.shape_cast %get3A_26 : vector<1x1x8192xf32> to vector<1x8192xf32>
    %mul3A_28 = vector.broadcast %convert_element_type3A_9 : vector<8x1xf32> to vector<8x8192xf32>
    %mul3A_29 = vector.broadcast %get3A_17 : vector<1x8192xf32> to vector<8x8192xf32>
    %mul3A_30 = arith.mulf %mul3A_28, %mul3A_29 : vector<8x8192xf32>
    %mul3A_31 = vector.broadcast %convert_element_type3A_11 : vector<8x1xf32> to vector<8x8192xf32>
    %mul3A_32 = vector.broadcast %get3A_22 : vector<1x8192xf32> to vector<8x8192xf32>
    %mul3A_33 = arith.mulf %mul3A_31, %mul3A_32 : vector<8x8192xf32>
    %add3A_34 = arith.addf %mul3A_30, %mul3A_33 : vector<8x8192xf32>
    %mul3A_35 = arith.constant -2.000000e+00 : f32
    %mul3A_36 = vector.broadcast %mul3A_35 : f32 to vector<8x8192xf32>
    %mul3A_37 = arith.mulf %mul3A_36, %add3A_34 : vector<8x8192xf32>
    %add3A_38 = vector.broadcast %add3A : vector<8x1xf32> to vector<8x8192xf32>
    %add3A_39 = arith.addf %mul3A_37, %add3A_38 : vector<8x8192xf32>
    %add3A_40 = vector.broadcast %get3A_27 : vector<1x8192xf32> to vector<8x8192xf32>
    %add3A_41 = arith.addf %add3A_39, %add3A_40 : vector<8x8192xf32>
    %iota3A = tpu.iota {dimensions = array<i32: 1>} : vector<8x8192xi32>
    %iota3A_42 = tpu.iota {dimensions = array<i32: 1>} : vector<8x32xi32>
    %mul3A_43 = arith.constant 8192 : i32
    %mul3A_44 = arith.muli %arg0, %mul3A_43 : i32
    %reduce_min3A = arith.constant dense<0x7F800000> : vector<8xf32>
    %reduce_min3A_45 = vector.multi_reduction <minimumf>, %add3A_41, %reduce_min3A [1] : vector<8x8192xf32> to vector<8xf32>
    %broadcast_in_dim3A = vector.shape_cast %reduce_min3A_45 : vector<8xf32> to vector<8x1xf32>
    %broadcast_in_dim3A_46 = arith.constant 0 : i32
    %broadcast_in_dim3A_47 = vector.broadcast %broadcast_in_dim3A_46 : i32 to vector<8x32xi32>
    %scan3A = arith.constant 0 : i32
    %scan3A_48 = arith.constant 32 : i32
    %scan3A_49 = arith.addi %scan3A, %scan3A_48 : i32
    %scan3A_50 = arith.constant 1 : i32
    %scan3A_51:3 = scf.for %scan3A_58 = %scan3A to %scan3A_49 step %scan3A_50 iter_args(%scan3A_59 = %add3A_41, %scan3A_60 = %broadcast_in_dim3A, %scan3A_61 = %broadcast_in_dim3A_47) -> (vector<8x8192xf32>, vector<8x1xf32>, vector<8x32xi32>)  : i32 {
      %eq3A = vector.broadcast %scan3A_60 : vector<8x1xf32> to vector<8x8192xf32>
      %eq3A_62 = arith.cmpf oeq, %scan3A_59, %eq3A : vector<8x8192xf32>
      %jit3A = arith.constant 8192 : i32
      %broadcast_in_dim3A_63 = vector.broadcast %jit3A : i32 to vector<8x8192xi32>
      %select_n3A = arith.select %eq3A_62, %iota3A, %broadcast_in_dim3A_63 : vector<8x8192xi1>, vector<8x8192xi32>
      %reduce_min3A_64 = arith.constant dense<2147483647> : vector<8xi32>
      %reduce_min3A_65 = vector.multi_reduction <minsi>, %select_n3A, %reduce_min3A_64 [1] : vector<8x8192xi32> to vector<8xi32>
      %broadcast_in_dim3A_66 = vector.shape_cast %reduce_min3A_65 : vector<8xi32> to vector<8x1xi32>
      %eq3A_67 = vector.broadcast %scan3A_58 : i32 to vector<8x32xi32>
      %eq3A_68 = arith.cmpi eq, %iota3A_42, %eq3A_67 : vector<8x32xi32>
      %add3A_69 = vector.broadcast %mul3A_44 : i32 to vector<8x1xi32>
      %add3A_70 = arith.addi %broadcast_in_dim3A_66, %add3A_69 : vector<8x1xi32>
      %broadcast_in_dim3A_71 = vector.shape_cast %add3A_70 : vector<8x1xi32> to vector<8x1xi32>
      %broadcast_in_dim3A_72 = vector.broadcast %broadcast_in_dim3A_71 : vector<8x1xi32> to vector<8x32xi32>
      %select_n3A_73 = arith.select %eq3A_68, %broadcast_in_dim3A_72, %scan3A_61 : vector<8x32xi1>, vector<8x32xi32>
      %eq3A_74 = vector.broadcast %broadcast_in_dim3A_66 : vector<8x1xi32> to vector<8x8192xi32>
      %eq3A_75 = arith.cmpi eq, %iota3A, %eq3A_74 : vector<8x8192xi32>
      %jit3A_76 = arith.constant 1.000000e+10 : f32
      %broadcast_in_dim3A_77 = vector.broadcast %jit3A_76 : f32 to vector<8x8192xf32>
      %select_n3A_78 = arith.select %eq3A_75, %broadcast_in_dim3A_77, %scan3A_59 : vector<8x8192xi1>, vector<8x8192xf32>
      %reduce_min3A_79 = arith.constant dense<0x7F800000> : vector<8xf32>
      %reduce_min3A_80 = vector.multi_reduction <minimumf>, %select_n3A_78, %reduce_min3A_79 [1] : vector<8x8192xf32> to vector<8xf32>
      %broadcast_in_dim3A_81 = vector.shape_cast %reduce_min3A_80 : vector<8xf32> to vector<8x1xf32>
      scf.yield %select_n3A_78, %broadcast_in_dim3A_81, %select_n3A_73 : vector<8x8192xf32>, vector<8x1xf32>, vector<8x32xi32>
    }
    %scan3A_52 = arith.constant 32 : i32
    %swap3A = arith.constant 0 : index
    %swap3A_53 = arith.constant 0 : index
    %swap3A_54 = arith.constant 0 : index
    %swap3A_55 = vector.load %arg7[%swap3A, %swap3A_53, %swap3A_54] : memref<1x8x32xi32, #tpu.memory_space<vmem>>, vector<1x8x32xi32>
    %swap3A_56 = vector.shape_cast %swap3A_55 : vector<1x8x32xi32> to vector<8x32xi32>
    %swap3A_57 = vector.shape_cast %scan3A_51#2 : vector<8x32xi32> to vector<1x8x32xi32>
    tpu.vector_store %arg7[%swap3A, %swap3A_53, %swap3A_54], %swap3A_57 {strides = array<i32>} : memref<1x8x32xi32, #tpu.memory_space<vmem>>, vector<1x8x32xi32>,
    return
  }
  func.func @transform_0(%arg0: i32, %arg1: i32) -> (i32, i32, i32) {
    %c0_i32 = arith.constant 0 : i32
    %c0_i32_0 = arith.constant 0 : i32
    %c0_i32_1 = arith.constant 0 : i32
    return %arg0, %c0_i32, %c0_i32_0 : i32, i32, i32
  }
  func.func @transform_1(%arg0: i32, %arg1: i32) -> (i32, i32, i32) {
    %c0_i32 = arith.constant 0 : i32
    %c0_i32_0 = arith.constant 0 : i32
    %c0_i32_1 = arith.constant 0 : i32
    return %arg0, %c0_i32, %c0_i32_0 : i32, i32, i32
  }
  func.func @transform_2(%arg0: i32, %arg1: i32) -> (i32, i32, i32) {
    %c0_i32 = arith.constant 0 : i32
    %c0_i32_0 = arith.constant 0 : i32
    %c0_i32_1 = arith.constant 0 : i32
    return %arg0, %c0_i32, %c0_i32_0 : i32, i32, i32
  }
  func.func @transform_3(%arg0: i32, %arg1: i32) -> (i32, i32, i32) {
    %c0_i32 = arith.constant 0 : i32
    %c0_i32_0 = arith.constant 0 : i32
    return %arg0, %arg1, %c0_i32 : i32, i32, i32
  }
  func.func @transform_4(%arg0: i32, %arg1: i32) -> (i32, i32, i32) {
    %c0_i32 = arith.constant 0 : i32
    %c0_i32_0 = arith.constant 0 : i32
    return %arg0, %arg1, %c0_i32 : i32, i32, i32
  }
  func.func @transform_5(%arg0: i32, %arg1: i32) -> (i32, i32, i32) {
    %c0_i32 = arith.constant 0 : i32
    %c0_i32_0 = arith.constant 0 : i32
    return %arg0, %arg1, %c0_i32 : i32, i32, i32
  }
}

module attributes {stable_mosaic.version = 14 : i64} {
  func.func @_stats_body(%arg0: i32, %arg1: i32, %arg2: memref<1x64x32x128xf32, #tpu.memory_space<vmem>>, %arg3: memref<1x64x128xf32, #tpu.memory_space<vmem>>, %arg4: memref<1x1x128xf32, #tpu.memory_space<vmem>>) attributes {dimension_semantics = [#tpu.dimension_semantics<arbitrary>, #tpu.dimension_semantics<arbitrary>], iteration_bounds = array<i64: 4, 8>, scalar_prefetch = 0 : i64, scratch_operands = 0 : i64, tpu.core_type = #tpu.core_type<tc>, window_params = [{transform_indices = @transform_0, window_bounds = array<i64: 1, 64, 32, 128>}, {transform_indices = @transform_1, window_bounds = array<i64: 1, 64, 128>}, {transform_indices = @transform_2, window_bounds = array<i64: 1, 1, 128>}]} {
    %get3A = arith.constant 0 : index
    %get3A_0 = arith.constant 0 : index
    %get3A_1 = arith.constant 0 : index
    %get3A_2 = arith.constant 0 : index
    %get3A_3 = vector.load %arg2[%get3A, %get3A_0, %get3A_1, %get3A_2] : memref<1x64x32x128xf32, #tpu.memory_space<vmem>>, vector<1x64x32x128xf32>
    %get3A_4 = vector.shape_cast %get3A_3 : vector<1x64x32x128xf32> to vector<64x32x128xf32>
    %reduce_sum3A = arith.constant dense<0.000000e+00> : vector<64x128xf32>
    %reduce_sum3A_5 = vector.multi_reduction <add>, %get3A_4, %reduce_sum3A [1] : vector<64x32x128xf32> to vector<64x128xf32>
    %div3A = arith.constant 3.200000e+01 : f32
    %div3A_6 = vector.broadcast %div3A : f32 to vector<64x128xf32>
    %div3A_7 = arith.divf %reduce_sum3A_5, %div3A_6 : vector<64x128xf32>
    %broadcast_in_dim3A = vector.shape_cast %div3A_7 : vector<64x128xf32> to vector<64x1x128xf32>
    %sub3A = vector.broadcast %broadcast_in_dim3A : vector<64x1x128xf32> to vector<64x32x128xf32>
    %sub3A_8 = arith.subf %get3A_4, %sub3A : vector<64x32x128xf32>
    %mul3A = arith.mulf %sub3A_8, %sub3A_8 : vector<64x32x128xf32>
    %reduce_sum3A_9 = vector.shape_cast %mul3A : vector<64x32x128xf32> to vector<1x64x32x128xf32>
    %reduce_sum3A_10 = arith.constant dense<0.000000e+00> : vector<1xf32>
    %reduce_sum3A_11 = vector.multi_reduction <add>, %reduce_sum3A_9, %reduce_sum3A_10 [1, 2, 3] : vector<1x64x32x128xf32> to vector<1xf32>
    %reduce_sum3A_12 = vector.shape_cast %reduce_sum3A_11 : vector<1xf32> to vector<1x1x1x1xf32>
    %reduce_sum3A_13 = vector.extract %reduce_sum3A_12[0, 0, 0, 0] : f32 from vector<1x1x1x1xf32>
    %eq3A = arith.constant 0 : i32
    %eq3A_14 = arith.cmpi eq, %arg1, %eq3A : i32
    %convert_element_type3A = arith.extui %eq3A_14 : i1 to i32
    %cond3A = arith.constant 0 : i32
    %cond3A_15 = arith.cmpi ne, %convert_element_type3A, %cond3A : i32
    scf.if %cond3A_15 {
      %broadcast_in_dim3A_33 = arith.constant 0.000000e+00 : f32
      %broadcast_in_dim3A_34 = vector.broadcast %broadcast_in_dim3A_33 : f32 to vector<1x128xf32>
      %swap3A_35 = arith.constant 0 : index
      %swap3A_36 = arith.constant 0 : index
      %swap3A_37 = arith.constant 0 : index
      %swap3A_38 = vector.load %arg4[%swap3A_35, %swap3A_36, %swap3A_37] : memref<1x1x128xf32, #tpu.memory_space<vmem>>, vector<1x1x128xf32>
      %swap3A_39 = vector.shape_cast %swap3A_38 : vector<1x1x128xf32> to vector<1x128xf32>
      %swap3A_40 = vector.shape_cast %broadcast_in_dim3A_34 : vector<1x128xf32> to vector<1x1x128xf32>
      tpu.vector_store %arg4[%swap3A_35, %swap3A_36, %swap3A_37], %swap3A_40 {strides = array<i32>} : memref<1x1x128xf32, #tpu.memory_space<vmem>>, vector<1x1x128xf32>,
    } else {
    }
    %get3A_16 = arith.constant 0 : index
    %get3A_17 = arith.constant 0 : index
    %get3A_18 = arith.constant 0 : index
    %get3A_19 = vector.load %arg4[%get3A_16, %get3A_17, %get3A_18] : memref<1x1x128xf32, #tpu.memory_space<vmem>>, vector<1x1x128xf32>
    %get3A_20 = vector.shape_cast %get3A_19 : vector<1x1x128xf32> to vector<1x128xf32>
    %broadcast_in_dim3A_21 = vector.broadcast %reduce_sum3A_13 : f32 to vector<1x128xf32>
    %add3A = arith.addf %get3A_20, %broadcast_in_dim3A_21 : vector<1x128xf32>
    %swap3A = arith.constant 0 : index
    %swap3A_22 = arith.constant 0 : index
    %swap3A_23 = arith.constant 0 : index
    %swap3A_24 = vector.load %arg4[%swap3A, %swap3A_22, %swap3A_23] : memref<1x1x128xf32, #tpu.memory_space<vmem>>, vector<1x1x128xf32>
    %swap3A_25 = vector.shape_cast %swap3A_24 : vector<1x1x128xf32> to vector<1x128xf32>
    %swap3A_26 = vector.shape_cast %add3A : vector<1x128xf32> to vector<1x1x128xf32>
    tpu.vector_store %arg4[%swap3A, %swap3A_22, %swap3A_23], %swap3A_26 {strides = array<i32>} : memref<1x1x128xf32, #tpu.memory_space<vmem>>, vector<1x1x128xf32>,
    %swap3A_27 = arith.constant 0 : index
    %swap3A_28 = arith.constant 0 : index
    %swap3A_29 = arith.constant 0 : index
    %swap3A_30 = vector.load %arg3[%swap3A_27, %swap3A_28, %swap3A_29] : memref<1x64x128xf32, #tpu.memory_space<vmem>>, vector<1x64x128xf32>
    %swap3A_31 = vector.shape_cast %swap3A_30 : vector<1x64x128xf32> to vector<64x128xf32>
    %swap3A_32 = vector.shape_cast %div3A_7 : vector<64x128xf32> to vector<1x64x128xf32>
    tpu.vector_store %arg3[%swap3A_27, %swap3A_28, %swap3A_29], %swap3A_32 {strides = array<i32>} : memref<1x64x128xf32, #tpu.memory_space<vmem>>, vector<1x64x128xf32>,
    return
  }
  func.func @transform_0(%arg0: i32, %arg1: i32) -> (i32, i32, i32, i32) {
    %c0_i32 = arith.constant 0 : i32
    %c0_i32_0 = arith.constant 0 : i32
    %c0_i32_1 = arith.constant 0 : i32
    return %arg0, %arg1, %c0_i32, %c0_i32_0 : i32, i32, i32, i32
  }
  func.func @transform_1(%arg0: i32, %arg1: i32) -> (i32, i32, i32) {
    %c0_i32 = arith.constant 0 : i32
    %c0_i32_0 = arith.constant 0 : i32
    return %arg0, %arg1, %c0_i32 : i32, i32, i32
  }
  func.func @transform_2(%arg0: i32, %arg1: i32) -> (i32, i32, i32) {
    %c0_i32 = arith.constant 0 : i32
    %c0_i32_0 = arith.constant 0 : i32
    %c0_i32_1 = arith.constant 0 : i32
    return %arg0, %c0_i32, %c0_i32_0 : i32, i32, i32
  }
}

module attributes {stable_mosaic.version = 14 : i64} {
  func.func @_final_body(%arg0: i32, %arg1: i32, %arg2: memref<1x64x32x128xf32, #tpu.memory_space<vmem>>, %arg3: memref<1x64x128xf32, #tpu.memory_space<vmem>>, %arg4: memref<1x64x128xf32, #tpu.memory_space<vmem>>, %arg5: memref<1x1x128xf32, #tpu.memory_space<vmem>>, %arg6: memref<1x128xf32, #tpu.memory_space<vmem>>, %arg7: memref<1x128xf32, #tpu.memory_space<vmem>>, %arg8: memref<1x64x32x130xf32, #tpu.memory_space<vmem>>) attributes {dimension_semantics = [#tpu.dimension_semantics<arbitrary>, #tpu.dimension_semantics<arbitrary>], iteration_bounds = array<i64: 4, 8>, scalar_prefetch = 0 : i64, scratch_operands = 0 : i64, tpu.core_type = #tpu.core_type<tc>, window_params = [{transform_indices = @transform_0, window_bounds = array<i64: 1, 64, 32, 128>}, {transform_indices = @transform_1, window_bounds = array<i64: 1, 64, 128>}, {transform_indices = @transform_2, window_bounds = array<i64: 1, 64, 128>}, {transform_indices = @transform_3, window_bounds = array<i64: 1, 1, 128>}, {pipeline_mode = #tpu.pipeline_mode<synchronous>, transform_indices = @transform_4, window_bounds = array<i64: 1, 128>}, {pipeline_mode = #tpu.pipeline_mode<synchronous>, transform_indices = @transform_5, window_bounds = array<i64: 1, 128>}, {transform_indices = @transform_6, window_bounds = array<i64: 1, 64, 32, 130>}]} {
    %get3A = arith.constant 0 : index
    %get3A_0 = arith.constant 0 : index
    %get3A_1 = arith.constant 0 : index
    %get3A_2 = vector.load %arg5[%get3A, %get3A_0, %get3A_1] : memref<1x1x128xf32, #tpu.memory_space<vmem>>, vector<1x1x1xf32>
    %get3A_3 = vector.extract %get3A_2[0, 0, 0] : f32 from vector<1x1x1xf32>
    %div3A = arith.constant 0x4983FFF8 : f32
    %div3A_4 = arith.divf %get3A_3, %div3A : f32
    %sqrt3A = math.sqrt %div3A_4 : f32
    %add3A = arith.constant 9.99999974E-6 : f32
    %add3A_5 = arith.addf %sqrt3A, %add3A : f32
    %get3A_6 = arith.constant 0 : index
    %get3A_7 = arith.constant 0 : index
    %get3A_8 = arith.constant 0 : index
    %get3A_9 = arith.constant 0 : index
    %get3A_10 = vector.load %arg2[%get3A_6, %get3A_7, %get3A_8, %get3A_9] : memref<1x64x32x128xf32, #tpu.memory_space<vmem>>, vector<1x64x32x128xf32>
    %get3A_11 = vector.shape_cast %get3A_10 : vector<1x64x32x128xf32> to vector<64x32x128xf32>
    %get3A_12 = arith.constant 0 : index
    %get3A_13 = arith.constant 0 : index
    %get3A_14 = arith.constant 0 : index
    %get3A_15 = vector.load %arg3[%get3A_12, %get3A_13, %get3A_14] : memref<1x64x128xf32, #tpu.memory_space<vmem>>, vector<1x64x128xf32>
    %get3A_16 = vector.shape_cast %get3A_15 : vector<1x64x128xf32> to vector<64x128xf32>
    %broadcast_in_dim3A = vector.shape_cast %get3A_16 : vector<64x128xf32> to vector<64x1x128xf32>
    %sub3A = vector.broadcast %broadcast_in_dim3A : vector<64x1x128xf32> to vector<64x32x128xf32>
    %sub3A_17 = arith.subf %get3A_11, %sub3A : vector<64x32x128xf32>
    %get3A_18 = arith.constant 0 : index
    %get3A_19 = arith.constant 0 : index
    %get3A_20 = vector.load %arg6[%get3A_18, %get3A_19] : memref<1x128xf32, #tpu.memory_space<vmem>>, vector<1x128xf32>
    %get3A_21 = arith.constant 0 : index
    %get3A_22 = arith.constant 0 : index
    %get3A_23 = vector.load %arg7[%get3A_21, %get3A_22] : memref<1x128xf32, #tpu.memory_space<vmem>>, vector<1x128xf32>
    %div3A_24 = vector.broadcast %add3A_5 : f32 to vector<64x32x128xf32>
    %div3A_25 = arith.divf %sub3A_17, %div3A_24 : vector<64x32x128xf32>
    %broadcast_in_dim3A_26 = vector.shape_cast %get3A_20 : vector<1x128xf32> to vector<1x1x128xf32>
    %mul3A = vector.broadcast %broadcast_in_dim3A_26 : vector<1x1x128xf32> to vector<64x32x128xf32>
    %mul3A_27 = arith.mulf %mul3A, %div3A_25 : vector<64x32x128xf32>
    %broadcast_in_dim3A_28 = vector.shape_cast %get3A_23 : vector<1x128xf32> to vector<1x1x128xf32>
    %add3A_29 = vector.broadcast %broadcast_in_dim3A_28 : vector<1x1x128xf32> to vector<64x32x128xf32>
    %add3A_30 = arith.addf %mul3A_27, %add3A_29 : vector<64x32x128xf32>
    %slice3A = vector.extract_strided_slice %add3A_30 {offsets = [0, 0, 0], sizes = [64, 32, 66], strides = [1, 1, 1]} : vector<64x32x128xf32> to vector<64x32x66xf32>
    %swap3A = arith.constant 0 : index
    %swap3A_31 = arith.constant 0 : index
    %swap3A_32 = arith.constant 0 : index
    %swap3A_33 = arith.constant 0 : index
    %swap3A_34 = vector.load %arg8[%swap3A, %swap3A_31, %swap3A_32, %swap3A_33] : memref<1x64x32x130xf32, #tpu.memory_space<vmem>>, vector<1x64x32x66xf32>
    %swap3A_35 = vector.shape_cast %swap3A_34 : vector<1x64x32x66xf32> to vector<64x32x66xf32>
    %swap3A_36 = vector.shape_cast %slice3A : vector<64x32x66xf32> to vector<1x64x32x66xf32>
    tpu.vector_store %arg8[%swap3A, %swap3A_31, %swap3A_32, %swap3A_33], %swap3A_36 {strides = array<i32>} : memref<1x64x32x130xf32, #tpu.memory_space<vmem>>, vector<1x64x32x66xf32>,
    %get3A_37 = arith.constant 0 : index
    %get3A_38 = arith.constant 0 : index
    %get3A_39 = arith.constant 0 : index
    %get3A_40 = vector.load %arg4[%get3A_37, %get3A_38, %get3A_39] : memref<1x64x128xf32, #tpu.memory_space<vmem>>, vector<1x64x128xf32>
    %get3A_41 = vector.shape_cast %get3A_40 : vector<1x64x128xf32> to vector<64x128xf32>
    %slice3A_42 = vector.extract_strided_slice %get3A_41 {offsets = [0, 0], sizes = [64, 64], strides = [1, 1]} : vector<64x128xf32> to vector<64x64xf32>
    %broadcast_in_dim3A_43 = vector.shape_cast %slice3A_42 : vector<64x64xf32> to vector<64x1x64xf32>
    %broadcast_in_dim3A_44 = vector.shape_cast %broadcast_in_dim3A_43 : vector<64x1x64xf32> to vector<64x1x64xf32>
    %broadcast_in_dim3A_45 = vector.broadcast %broadcast_in_dim3A_44 : vector<64x1x64xf32> to vector<64x32x64xf32>
    %swap3A_46 = arith.constant 0 : index
    %swap3A_47 = arith.constant 0 : index
    %swap3A_48 = arith.constant 0 : index
    %swap3A_49 = arith.constant 66 : index
    %swap3A_50 = vector.load %arg8[%swap3A_46, %swap3A_47, %swap3A_48, %swap3A_49] : memref<1x64x32x130xf32, #tpu.memory_space<vmem>>, vector<1x64x32x64xf32>
    %swap3A_51 = vector.shape_cast %swap3A_50 : vector<1x64x32x64xf32> to vector<64x32x64xf32>
    %swap3A_52 = vector.shape_cast %broadcast_in_dim3A_45 : vector<64x32x64xf32> to vector<1x64x32x64xf32>
    tpu.vector_store %arg8[%swap3A_46, %swap3A_47, %swap3A_48, %swap3A_49], %swap3A_52 {strides = array<i32>} : memref<1x64x32x130xf32, #tpu.memory_space<vmem>>, vector<1x64x32x64xf32>,
    return
  }
  func.func @transform_0(%arg0: i32, %arg1: i32) -> (i32, i32, i32, i32) {
    %c0_i32 = arith.constant 0 : i32
    %c0_i32_0 = arith.constant 0 : i32
    %c0_i32_1 = arith.constant 0 : i32
    return %arg0, %arg1, %c0_i32, %c0_i32_0 : i32, i32, i32, i32
  }
  func.func @transform_1(%arg0: i32, %arg1: i32) -> (i32, i32, i32) {
    %c0_i32 = arith.constant 0 : i32
    %c0_i32_0 = arith.constant 0 : i32
    return %arg0, %arg1, %c0_i32 : i32, i32, i32
  }
  func.func @transform_2(%arg0: i32, %arg1: i32) -> (i32, i32, i32) {
    %c0_i32 = arith.constant 0 : i32
    %c0_i32_0 = arith.constant 0 : i32
    return %arg0, %arg1, %c0_i32 : i32, i32, i32
  }
  func.func @transform_3(%arg0: i32, %arg1: i32) -> (i32, i32, i32) {
    %c0_i32 = arith.constant 0 : i32
    %c0_i32_0 = arith.constant 0 : i32
    %c0_i32_1 = arith.constant 0 : i32
    return %arg0, %c0_i32, %c0_i32_0 : i32, i32, i32
  }
  func.func @transform_4(%arg0: i32, %arg1: i32) -> (i32, i32) {
    %c0_i32 = arith.constant 0 : i32
    %c0_i32_0 = arith.constant 0 : i32
    %c0_i32_1 = arith.constant 0 : i32
    return %c0_i32, %c0_i32_0 : i32, i32
  }
  func.func @transform_5(%arg0: i32, %arg1: i32) -> (i32, i32) {
    %c0_i32 = arith.constant 0 : i32
    %c0_i32_0 = arith.constant 0 : i32
    %c0_i32_1 = arith.constant 0 : i32
    return %c0_i32, %c0_i32_0 : i32, i32
  }
  func.func @transform_6(%arg0: i32, %arg1: i32) -> (i32, i32, i32, i32) {
    %c0_i32 = arith.constant 0 : i32
    %c0_i32_0 = arith.constant 0 : i32
    %c0_i32_1 = arith.constant 0 : i32
    return %arg0, %arg1, %c0_i32, %c0_i32_0 : i32, i32, i32, i32
  }
}

</mosaic_0001>

<sc_bundles>
// kernel: kernel.8.cloned.1.call-start
scs
__scs_entry_jumppad:
0x0: {  	(pc) =	sbr.rel $0x88, $3  }
0x1: {  	(tag) =	ssettag $0x0;
	lr =	simm.s32 $0x1  }
0x2: {  	[smem:$0x3F9D] =	sst lr;
	_ =	strace $0xD0000000  }
0x3: {  	_ = 	snop  }
0x4: {  	_ = 	snop  }
0x5: {  	_ = 	snop  }
0x6: {  	_ = 	snop  }
0x7: {  	_ = 	snop  }
__scs_overlays_trampoline_lowered:
0x8: {  	[smem:$0x3FAC] =	sst s0  }
0x9: {  	[smem:$0x3FAD] =	sst s1  }
0xa: {  	[smem:$0x3FAE] =	sst s2  }
0xb: {  	[smem:$0x3FAF] =	sst s3  }
0xc: {  	[smem:$0x3FB0] =	sst s4  }
0xd: {  	[smem:$0x3FB1] =	sst s5  }
0xe: {  	[smem:$0x3FB2] =	sst s6  }
0xf: {  	[smem:$0x3FB3] =	sst s7  }
0x10: {  	[smem:$0x3FB4] =	sst s8  }
0x11: {  	[smem:$0x3FB5] =	sst s9;
	s0 =	simm.s32 @!p0 $0x0  }
0x12: {  	s1 =	sld [smem:$0x3F9B];
	s0 =	simm.s32 @p0 $0x1  }
0x13: {  	[smem:$0x3FB6] =	sst s0;
	s0 =	simm.s32 @!p1 $0x0  }
0x14: {  	s2 =	sld [smem:$0x3F9A];
	s0 =	simm.s32 @p1 $0x1  }
0x15: {  	[smem:$0x3FB7] =	sst s0;
	s0 =	simm.s32 @!p2 $0x0  }
0x16: {  	s3 =	sld [smem:$0x3FDB];
	s0 =	simm.s32 @p2 $0x1  }
0x17: {  	s4 =	simm.s32 $0x1BF5;
	[smem:$0x3FB9] =	sst s0  }
0x18: {  	s0 =	sld [smem:$0x3F9C];
	_ =	swait.ge [sflag:s4], $0x0  }
0x19: {  	s7 =	sld [smem:$0x3F9D]  }
0x1a: {  	s8 =	sadd.s32 $0xFFFFE003, lr  }
0x1b: {  	s9 =	sadd.s32 $0xFFFFFEF7, lr;
	s5 =	simm.s32 $0xFFFFFFFF;
	p2 =	slt.u32 s8, $0xFFFFF086  }
0x1c: {  	p1 =	slt.u32 s9, $0xF7A;
	s5 =	simm.s32 @!p2 $0x0  }
0x1d: {  	s5 =	simm.s32 @p1 $0x1;
	p0 =	seq.s32 s7, s2  }
0x1e: {  	s7 =	smul.u32 @!p0 $0xF7A, s2;
	p2 =	seq.s32 @!p0 s5, $0x0  }
0x1f: {  	s9 =	smul.u32 $0xF7A, s1;
	s8 =	simm.s32 @!p0 $0x1BF5;
	p2 =	por !p2, p0  }
0x20: {  	[sflag:s8] =	ssyncset.s32 @!p0 $0xFFFFF086;
	s6 =	sadd.s32 @!p0 s3, s7;
	s7 =	simm.s32 @!p0 $0x108  }
0x21: {  	s3 =	sadd.s32 s3, s9;
	s6 =	sadd.s32 @!p0 $0x88, s6;
	s7 =	simm.s32 @p2 $0x1082  }
0x22: {  	[simem:s7], [sflag:s8] =	dma.local @!p0 [hbm:s6], $0xF7A  }
0x23: {  	s9 =	sor.u32 $0xD0000000, s2;
	s6 =	simm.s32 $0x108;
	_ =	swait.ge @!p0 [sflag:s8], $0x0  }
0x24: {  	s3 =	sadd.s32 $0x88, s3;
	s6 =	simm.s32 @!p1 $0x1082;
	[sflag:s4] =	ssyncset.s32 $0xFFFFF086  }
0x25: {  	[simem:s6], [sflag:s4] =	dma.local [hbm:s3], $0xF7A  }
0x26: {  	[smem:$0x3F9D] =	sst s1;
	(tag) =	ssettag s2;
	_ =	strace s9  }
0x27: {  	s1 =	sld [smem:$0x3FAD]  }
0x28: {  	s2 =	sld [smem:$0x3FAE]  }
0x29: {  	s4 =	sld [smem:$0x3FB0]  }
0x2a: {  	p0 =	seq.s32 s5, $0x0;
	s5 =	sld [smem:$0x3FB1]  }
0x2b: {  	s6 =	sld [smem:$0x3FB2]  }
0x2c: {  	s7 =	sld [smem:$0x3FB3]  }
0x2d: {  	s3 =	simm.s32 $0x108;
	s8 =	sld [smem:$0x3FB4]  }
0x2e: {  	s3 =	simm.s32 @!p0 $0x1082;
	s9 =	sld [smem:$0x3FB5]  }
0x2f: {  	lr =	sadd.s32 s0, s3;
	s0 =	sld [smem:$0x3FAC]  }
0x30: {  	s3 =	sld [smem:$0x3FAF]  }
0x31: {  	[smem:$0x3FB8] =	sst s10  }
0x32: {  	s10 =	sld [smem:$0x3FB6];
	_ =	sdelay $0x3  }
0x33: {  	p0 =	seq.s32 s10, $0x1;
	s10 =	sld [smem:$0x3FB8];
	_ =	sdelay $0x3  }
0x34: {  	[smem:$0x3FB8] =	sst s10  }
0x35: {  	s10 =	sld [smem:$0x3FB7];
	_ =	sdelay $0x3  }
0x36: {  	p1 =	seq.s32 s10, $0x1;
	s10 =	sld [smem:$0x3FB8];
	_ =	sdelay $0x3  }
0x37: {  	[smem:$0x3FB8] =	sst s10  }
0x38: {  	s10 =	sld [smem:$0x3FB9]  }
0x39: {  	_ = 	snop;
	(pc) =	sbr.ind lr, $3  }
0x3a: {  	_ = 	snop  }
0x3b: {  	_ = 	snop  }
0x3c: {  	p2 =	seq.s32 s10, $0x1;
	s10 =	sld [smem:$0x3FB8]  }
0x3d: {  	_ =	shalt  }
0x3e: {  	_ =	shalt  }
0x3f: {  	_ =	shalt  }
0x40: {  	_ =	shalt  }
0x41: {  	_ =	shalt  }
0x42: {  	_ =	shalt  }
0x43: {  	_ =	shalt  }
0x44: {  	_ =	shalt  }
0x45: {  	_ =	shalt  }
0x46: {  	_ =	shalt  }
0x47: {  	_ =	shalt  }
0x48: {  	_ =	shalt  }
0x49: {  	_ =	shalt  }
0x4a: {  	_ =	shalt  }
0x4b: {  	_ =	shalt  }
0x4c: {  	_ =	shalt  }
0x4d: {  	_ =	shalt  }
0x4e: {  	_ =	shalt  }
0x4f: {  	_ =	shalt  }
0x50: {  	_ =	shalt  }
0x51: {  	_ =	shalt  }
0x52: {  	_ =	shalt  }
0x53: {  	_ =	shalt  }
0x54: {  	_ =	shalt  }
0x55: {  	_ =	shalt  }
0x56: {  	_ =	shalt  }
0x57: {  	_ =	shalt  }
0x58: {  	_ =	shalt  }
0x59: {  	_ =	shalt  }
0x5a: {  	_ =	shalt  }
0x5b: {  	_ =	shalt  }
0x5c: {  	_ =	shalt  }
0x5d: {  	_ =	shalt  }
0x5e: {  	_ =	shalt  }
0x5f: {  	_ =	shalt  }
0x60: {  	_ =	shalt  }
0x61: {  	_ =	shalt  }
0x62: {  	_ =	shalt  }
0x63: {  	_ =	shalt  }
0x64: {  	_ =	shalt  }
0x65: {  	_ =	shalt  }
0x66: {  	_ =	shalt  }
0x67: {  	_ =	shalt  }
0x68: {  	_ =	shalt  }
0x69: {  	_ =	shalt  }
0x6a: {  	_ =	shalt  }
0x6b: {  	_ =	shalt  }
0x6c: {  	_ =	shalt  }
0x6d: {  	_ =	shalt  }
0x6e: {  	_ =	shalt  }
0x6f: {  	_ =	shalt  }
0x70: {  	_ =	shalt  }
0x71: {  	_ =	shalt  }
0x72: {  	_ =	shalt  }
0x73: {  	_ =	shalt  }
0x74: {  	_ =	shalt  }
0x75: {  	_ =	shalt  }
0x76: {  	_ =	shalt  }
0x77: {  	_ =	shalt  }
0x78: {  	_ =	shalt  }
0x79: {  	_ =	shalt  }
0x7a: {  	_ =	shalt  }
0x7b: {  	_ =	shalt  }
0x7c: {  	_ =	shalt  }
0x7d: {  	_ =	shalt  }
0x7e: {  	_ =	shalt  }
0x7f: {  	_ =	shalt  }
0x80: {  	_ =	shalt  }
0x81: {  	_ =	shalt  }
0x82: {  	_ =	shalt  }
0x83: {  	_ =	shalt  }
0x84: {  	_ =	shalt  }
0x85: {  	_ =	shalt  }
0x86: {  	_ =	shalt  }
0x87: {  	_ =	shalt  }
.Lfunc_end0:
.L_simem_size_0:
called_computation_lowered:
.L_overlay_start_0:
0x88: {  	s2 =	sld [smem:$0x3FD9]  }
0x89: {  	s3 =	sld [smem:$0x3FFE];
	_ =	sdelay $0x1  }
0x8a: {  	s1 =	srdreg.scid  }
0x8b: {  	s0 =	sand.u32 $0x1, s1  }
0x8c: {  	s14 =	sshll.u32 s0, $0xA;
	s2 =	sadd.s32 s3, s2  }
0x8d: {  	s2 =	sadd.s32 s2, s14  }
0x8e: {  	[smem:$0x3FC4] =	sst s2  }
0x8f: {  	_ = 	snop  }
0x90: {  	s2 =	sld [smem:$0x3FD0];
	_ =	sdelay $0x2  }
0x91: {  	s15 =	simm.s32 $0xA;
	s4 =	simm.s32 $0x10  }
0x92: {  	[smem:s4], [sflag:s15] =	dma.local [hbm:s2], $0x1  }
0x93: {  	_ =	swait.eq [sflag:s15], $0x1  }
0x94: {  	[sflag:s15] =	ssyncset.done $0x0  }
0x95: {  	[sflag:s15] =	ssyncadd.s32 $0xFFFFFFFF  }
0x96: {  	s16 =	sld [smem:$0x11];
	(tm) =	ssettm $0x1  }
0x97: {  	s17 =	sld [smem:$0x3FFB];
	_ =	sdelay $0x3  }
0x98: {  	_ =	strace s17  }
0x99: {  	s3 =	sld [smem:$0x3FFC];
	_ =	sdelay $0x3  }
0x9a: {  	_ =	strace s3  }
0x9b: {  	s3 =	sld [smem:$0x3FFD];
	_ =	sdelay $0x3  }
0x9c: {  	_ =	strace s3  }
0x9d: {  	_ =	strace $0x8FFFFFFF  }
0x9e: {  	s18 =	sld [smem:$0x3FDB];
	_ =	sdelay $0x1  }
0x9f: {  	s19 =	simm.s32 $_scs_section_size  }
0xa0: {  	s5 =	simm.s32 $_size__tile_overlayer_lowered;
	s6 =	simm.s32 $_tile_overlayer_lowered  }
0xa1: {  	s22 =	simm.s32 $0x1BFF;
	s21 =	sshll.u32 s6, $0x1;
	s3 =	sadd.s32 s19, s18  }
0xa2: {  	s7 =	simm.s32 $0x0;
	s20 =	sshll.u32 s5, $0x1;
	s5 =	sadd.s32 s21, s3  }
0xa3: {  	[timem:s7], [sflag:s22] =	dma.local [hbm:s5], s20  }
0xa4: {  	_ =	swait.ge [sflag:s22], s20  }
0xa5: {  	s4 =	ssub.s32 $0x0, s20;
	[sflag:s22] =	ssyncset.done $0x0  }
0xa6: {  	[sflag:s22] =	ssyncadd.s32 s4;
	_ =	sdelay $0x1  }
0xa7: {  	s23 =	simm.s32 $0x1B8B  }
0xa8: {  	_ =	swait.ge [sflag:s23], $0x1  }
0xa9: {  	[sflag:s23] =	ssyncset.done $0x0  }
0xaa: {  	s25 =	simm.s32 $0x1B8E;
	s24 =	sld [smem:$0x3FFE];
	[sflag:s23] =	ssyncadd.s32 $0xFFFFFFFF  }
0xab: {  	s26 =	simm.s32 $execute0_lowered;
	[smem:$0x3FD2] =	sst s25  }
0xac: {  	s5 =	sshll.u32 s26, $0x1;
	_ =	strace $0x80000046;
	[dreg:$0x1] =	wrdreg $0xFFFFFFFF  }
0xad: {  	s28 =	simm.s32 $_size_execute0_lowered;
	s3 =	sadd.s32 s3, s5;
	[dreg:$0x0] =	wrdreg $0x0  }
0xae: {  	s5 =	sshll.u32 s28, $0x1;
	[dreg:$0x2] =	wrdreg s3  }
0xaf: {  	[dreg:$0x3] =	wrdreg s5  }
0xb0: {  	[dreg:$0x4] =	wrdreg $0xC0  }
0xb1: {  	_ =	task [dreg:s7], $0x5FFFF  }
0xb2: {  	[dreg:$0x1] =	wrdreg $0xFFFFFFFF  }
0xb3: {  	[dreg:$0x0] =	wrdreg $0x60  }
0xb4: {  	[dreg:$0x2] =	wrdreg s16  }
0xb5: {  	[dreg:$0x3] =	wrdreg s24  }
0xb6: {  	[dreg:$0x4] =	wrdreg $0x9  }
0xb7: {  	_ =	task.clear_ibuf [dreg:s7], $0x5FFFF;
	_ =	strace $0x90000046  }
0xb8: {  	s29 =	simm.s32 $0x9;
	_ =	strace $0x80000048  }
0xb9: {  	_ =	swait.ge [sflag:s29], $0x1  }
0xba: {  	[sflag:s29] =	ssyncadd.s32 $0xFFFFFFFF  }
0xbb: {  	_ =	strace $0x90000048  }
0xbc: {  	_ =	sfence  }
0xbd: {  	s30 =	sld [smem:$0x0];
	_ =	sdelay $0x2  }
0xbe: {  	s31 =	sshll.u32 s1, $0xD;
	s1 =	sshrl.u32 s1, $0x2  }
0xbf: {  	s3 =	sand.u32 $0x4000, s31;
	s1 =	sadd.s32 s1, s30  }
0xc0: {  	s0 =	sor.u32 s3, s0;
	s1 =	sshll.u32 s1, $0x11  }
0xc1: {  	s0 =	sor.u32 s1, s0  }
0xc2: {  	s0 =	sadd.s32 $0x8F2B, s0  }
0xc3: {  	[sflag:s0] =	ssyncadd.remote.s32 $0x1  }
0xc4: {  	_ =	sfence.sel $0xFFFF  }
0xc5: {  	[dreg:$0x0] =	wrdreg $0xFFFFFFFF;
	(pc) =	sbr.abs _section_cstart, $3  }
0xc6: {  	[dreg:$0x1] =	wrdreg $0xFFFFFFFF  }
0xc7: {  	_ =	task.clear_ibuf [dreg:s7], $0x2FFFF;
	_ =	strace $0x9FFFFFFF  }
0xc8: {  	(tm) =	ssettm $0x7FFFFFFF  }
0xc9: {  	_ =	shalt  }
tec
execute0_lowered:
.L_overlay_start_1:
0x0: {  	(tag) =	ssettag $0x1  }
0x1: {  	s2 =	rddreg [dreg:$0x0];
	s1 =	srdreg.scid  }
0x2: {  	s0 =	stileid.u32;
	s4 =	rddreg [dreg:$0x1];
	s3 =	simm.s32 $0x0  }
0x3: {  	s11 =	simm.s32 $0x0;
	s5 =	sand.u32 $0x1, s1;
	s1 =	rddreg [dreg:$0x2]  }
0x4: {  	s6 =	sshll.u32 s0, $0x1;
	[smem:$0x7FF] =	sst s3;
	s7 =	smul.u32 $0x10800, s0  }
0x5: {  	s6 =	sor.u32 s5, s6;
	s8 =	ssub.s32 $0x2, s5;
	s10 =	smul.u32 $0x8400, s5  }
0x6: {  	_ =	strace $0x80000047;
	s6 =	smul.u32 $0x840, s6;
	s9 =	sshrl.u32 s8, $0x1  }
0x7: {  	s30 =	sadd.s32 s7, s4;
	s7 =	simm.s32 $0x2;
	s31 =	ssub.s32 s8, s9  }
0x8: {  	s8 =	simm.s32 $0x60;
	s9 =	simm.s32 $0x880;
	s6 =	sshrl.u32 s6, $0x3  }
0x9: {  	s5 =	smax.u32 s31, $0x1;
	s29 =	sadd.s32 s6, s4;
	s6 =	sadd.s32 s10, s30  }
0xa: {  	s10 =	simm.s32 $0x1;
	s4 =	sadd.s32 $0xA00, s29;
	s6 =	sadd.s32 $0x2C00, s6  }
.LBB2_1:
0xb: {  	[tilespmem:s3], [sflag:$0x2] =	stream.linear.gather [hbm4b:s4+s3], $0x840, $0x38;
	[tilespmem:$0x3880] =	vst v63  }
0xc: {  	_ =	swait.ge [sflag:s7], $0x840  }
0xd: {  	[sflag:s7] =	ssyncset.done $0x0  }
0xe: {  	s12 =	simm.s32 $0x0;
	[sflag:s7] =	ssyncadd.s32 $0xFFFFF7C0  }
0xf: {  	[tilespmem:s9], [sflag:$0x1] =	stream.indirect.gather [hbm4b:s2+s8], $0x80, s12, s8, $0xb8;
	[tilespmem:$0x3880] =	vst v63  }
0x10: {  	_ =	swait.ge [sflag:s10], $0x3000  }
0x11: {  	[sflag:s10] =	ssyncset.done $0x0  }
0x12: {  	[sflag:s10] =	ssyncadd.s32 $0xFFFFD000  }
0x13: {  	[hbm4b:s6+s3] =	stream.linear.scatter [tilespmem:s9], [sflag:$0x2], $0x3000, $0x38;
	[tilespmem:$0x3880] =	vst v63  }
0x14: {  	s13 =	simm.s32 $0x180;
	_ =	swait.ge [sflag:s7], $0x3000  }
0x15: {  	s14 =	simm.s32 $0x300;
	s12 =	sadd.s32 $0x600, s6;
	[sflag:s7] =	ssyncset.done $0x0  }
.LBB2_2:
0x16: {  	s15 =	sshra.s32 s13, $0x2  }
0x17: {  	[sflag:s7] =	ssyncadd.s32 $0xFFFFD000;
	s13 =	smov.u32 s14;
	s16 =	sadd.s32 $0x180, s14  }
0x18: {  	[tilespmem:s9], [sflag:$0x1] =	stream.indirect.gather [hbm4b:s2+s8], $0x80, s15, s8, $0xb8;
	[tilespmem:$0x3880] =	vst v63  }
0x19: {  	p0 =	sne.s32 s14, $0x1F80;
	_ =	swait.ge [sflag:s10], $0x3000  }
.Ltmp0:
0x1a: {  	[sflag:s10] =	ssyncset.done $0x0;
	(pc) =	sbr.rel @p0 .LBB2_2-.Ltmp0, $4  }
0x1b: {  	[sflag:s10] =	ssyncadd.s32 $0xFFFFD000  }
0x1c: {  	[hbm4b:s12+s3] =	stream.linear.scatter [tilespmem:s9], [sflag:$0x2], $0x3000, $0x38;
	[tilespmem:$0x3880] =	vst v63  }
0x1d: {  	_ =	swait.ge [sflag:s7], $0x3000  }
0x1e: {  	s14 =	smov.u32 s16;
	s12 =	sadd.s32 $0x600, s12;
	[sflag:s7] =	ssyncset.done $0x0  }
0x1f: {  	s13 =	sshra.s32 s13, $0x2;
	[sflag:s7] =	ssyncadd.s32 $0xFFFFD000  }
0x20: {  	[tilespmem:s9], [sflag:$0x1] =	stream.indirect.gather [hbm4b:s2+s8], $0x80, s13, s8, $0xb8;
	[tilespmem:$0x3880] =	vst v63  }
0x21: {  	s11 =	sadd.s32 $0x1, s11;
	_ =	swait.ge [sflag:s10], $0x3000  }
0x22: {  	p0 =	sne.s32 s11, s5;
	[sflag:s10] =	ssyncset.done $0x0  }
.Ltmp1:
0x23: {  	[sflag:s10] =	ssyncadd.s32 $0xFFFFD000;
	(pc) =	sbr.rel @p0 .LBB2_1-.Ltmp1, $4  }
0x24: {  	[hbm4b:s12+s3] =	stream.linear.scatter [tilespmem:s9], [sflag:$0x2], $0x3000, $0x38;
	[tilespmem:$0x3880] =	vst v63  }
0x25: {  	_ =	swait.ge [sflag:s7], $0x3000  }
0x26: {  	[sflag:s7] =	ssyncset.done $0x0  }
0x27: {  	[sflag:s7] =	ssyncadd.s32 $0xFFFFD000  }
0x28: {  	_ =	sfence.sel $0x180000  }
0x29: {  	[bflag:$0x0] =	sbarrier.arrive $0xFFFF  }
0x2a: {  	p0 =	sne.s32 s0, $0x0;
	_ =	strace $0x90000047  }
0x2b: {  	s0 =	sadd.s32 @!p0 $0x100000, s1;
	[bflag:$0x2] =	sbarrier.arrive $0xFFFF  }
0x2c: {  	[sflag:s0] =	ssyncadd.tile.s32 @!p0 $0x1;
	_ =	shalt  }
.Lfunc_end2:
_tile_overlayer_lowered:
.L_overlay_start_2:
0x2d: {  	(tag) =	ssettag $0x2  }
0x2e: {  	s0 =	rddreg [dreg:$0x0];
	s2 =	stileid.u32  }
0x2f: {  	s1 =	rddreg [dreg:$0x1];
	p0 =	sne.s32 s2, $0x0  }
0x30: {  	s3 =	rddreg [dreg:$0x2];
	[bflag:$0x3] =	sbarrier.arrive $0xFFFF;
	s2 =	simm.s32 @!p0 $0x1C02  }
0x31: {  	[timem:s3], [sflag:s2] =	dma.local @!p0 [hbm:s0], s1  }
0x32: {  	s0 =	simm.s32 @!p0 $0x2  }
0x33: {  	_ =	swait.ge @!p0 [sflag:s0], s1  }
0x34: {  	s1 =	ssub.s32 @!p0 $0x0, s1;
	[sflag:s0] =	ssyncset.done @!p0 $0x0  }
0x35: {  	[sflag:s0] =	ssyncadd.s32 @!p0 s1  }
0x36: {  	[bflag:$0x3] =	sbarrier.arrive $0xFFFF  }
0x37: {  	_ =	shalt  }

</sc_bundles>
